<compile_context>
chip_gen: v7x
topology: tpu7x:2x2x1
jax: 0.10.2.dev20260603
libtpu: 0.0.44.dev20260713+nightly
codegen_flags: <defaults>
</compile_context>

<pallas_src>
import functools

import jax
import jax.numpy as jnp
from jax import lax
from jax.experimental import pallas as pl
from jax.experimental.pallas import tpu as pltpu
from jax.experimental.pallas import tpu_sc as plsc

N_NODES = 10000
N_PAD = 10240
N_EDGES = 320000
D = 128
NUM_GRAPHS = 64
EPS = 1e-5

NC = 2
NS = 16
NW = NC * NS
EPT = N_EDGES // NW
CHUNK = 80
NCHUNK = EPT // CHUNK
DEG_CHUNK = 80
DEG_NCHUNK = EPT // DEG_CHUNK
ROWS_PT = N_PAD // NS
DEG_PT = N_PAD // NS


def _vsc_mesh():
  return plsc.VectorSubcoreMesh(core_axis_name="c", subcore_axis_name="s")


def _sc_deg(dst3d):
  @functools.partial(
      pl.kernel,
      mesh=_vsc_mesh(),
      out_type=jax.ShapeDtypeStruct((NC, N_PAD), jnp.float32),
      scratch_types=[
          pltpu.VMEM((DEG_NCHUNK, DEG_CHUNK), jnp.int32),
          pltpu.VMEM((DEG_CHUNK,), jnp.float32),
          pltpu.VMEM((DEG_PT,), jnp.float32),
          pltpu.VMEM_SHARED((N_PAD,), jnp.float32),
      ],
  )
  def deg_kernel(dst_hbm, out_hbm, dst_v, ones_v, buf_v, hist_s):
    cid = lax.axis_index("c")
    sid = lax.axis_index("s")
    tid = cid * NS + sid

    zeros16 = jnp.zeros((16,), jnp.float32)
    ones16 = jnp.ones((16,), jnp.float32)

    def fill(i, _):
      buf_v[pl.ds(i * 16, 16)] = zeros16
      return 0
    lax.fori_loop(0, DEG_PT // 16, fill, 0)
    for l in range(DEG_CHUNK // 16):
      ones_v[pl.ds(l * 16, 16)] = ones16

    base = sid * DEG_PT
    pltpu.sync_copy(buf_v, hist_s.at[pl.ds(base, DEG_PT)])
    pltpu.sync_copy(dst_hbm.at[tid], dst_v)
    plsc.subcore_barrier()

    def scat(j, _):
      pltpu.sync_copy(ones_v, hist_s.at[dst_v.at[j]], add=True)
      return 0
    lax.fori_loop(0, DEG_NCHUNK, scat, 0)

    plsc.subcore_barrier()
    pltpu.sync_copy(hist_s.at[pl.ds(base, DEG_PT)],
                    out_hbm.at[cid, pl.ds(base, DEG_PT)])

  return deg_kernel(dst3d)


def _sc_edge_pass(g, src3d, dst3d):
  @functools.partial(
      pl.kernel,
      mesh=_vsc_mesh(),
      out_type=jax.ShapeDtypeStruct((NC, N_PAD, D), jnp.float32),
      scratch_types=[
          pltpu.VMEM((EPT,), jnp.int32),
          pltpu.VMEM((NCHUNK, CHUNK), jnp.int32),
          pltpu.VMEM((2, CHUNK, D), jnp.float32),
          pltpu.VMEM_SHARED((N_PAD, D), jnp.float32),
          pltpu.SemaphoreType.DMA,
          pltpu.SemaphoreType.DMA,
      ],
  )
  def edge_kernel(g_hbm, src_hbm, dst_hbm, out_hbm, src_v, dst_v, rows_v,
                  acc_s, gsem, ssem):
    cid = lax.axis_index("c")
    sid = lax.axis_index("s")
    tid = cid * NS + sid

    zeros16 = jnp.zeros((16,), jnp.float32)

    def zrow(i, _):
      for l in range(D // 16):
        rows_v[0, i, pl.ds(l * 16, 16)] = zeros16
      return 0
    lax.fori_loop(0, CHUNK, zrow, 0)
    def zcopy(i, _):
      pltpu.sync_copy(rows_v.at[0],
                      acc_s.at[pl.ds(sid * ROWS_PT + i * CHUNK, CHUNK)])
      return 0
    lax.fori_loop(0, ROWS_PT // CHUNK, zcopy, 0)

    pltpu.sync_copy(src_hbm.at[tid], src_v)
    pltpu.sync_copy(dst_hbm.at[tid], dst_v)
    plsc.subcore_barrier()

    pltpu.async_copy(g_hbm.at[src_v.at[pl.ds(0, CHUNK)]], rows_v.at[0], gsem)

    def step(c, _):
      b = lax.rem(c, 2)
      nb = 1 - b
      pltpu.make_async_copy(g_hbm.at[src_v.at[pl.ds(c * CHUNK, CHUNK)]],
                            rows_v.at[b], gsem).wait()
      @pl.when(c > 0)
      def _():
        pltpu.make_async_copy(rows_v.at[nb], acc_s.at[dst_v.at[c - 1]],
                              ssem).wait()
      @pl.when(c < NCHUNK - 1)
      def _():
        pltpu.async_copy(g_hbm.at[src_v.at[pl.ds((c + 1) * CHUNK, CHUNK)]],
                         rows_v.at[nb], gsem)
      pltpu.async_copy(rows_v.at[b], acc_s.at[dst_v.at[c]], ssem, add=True)
      return 0
    lax.fori_loop(0, NCHUNK, step, 0)
    pltpu.make_async_copy(rows_v.at[(NCHUNK - 1) % 2],
                          acc_s.at[dst_v.at[NCHUNK - 1]], ssem).wait()

    plsc.subcore_barrier()
    pltpu.sync_copy(acc_s.at[pl.ds(sid * ROWS_PT, ROWS_PT)],
                    out_hbm.at[cid, pl.ds(sid * ROWS_PT, ROWS_PT)])

  return edge_kernel(g, src3d, dst3d)


def _dinv_from(deg2):
  deg = deg2[0, :N_NODES] + deg2[1, :N_NODES] + 1.0
  return lax.rsqrt(deg)


def _bn(h, gamma, beta):
  m = jnp.mean(h, axis=0)
  v = jnp.mean((h - m) ** 2, axis=0)
  return (h - m) / jnp.sqrt(v + EPS) * gamma + beta


def _tc_pre(deg2, x, W1):
  def body(deg_ref, x_ref, w_ref, g_ref):
    dinv = _dinv_from(deg_ref[...])
    hw = jnp.dot(x_ref[...], w_ref[...], preferred_element_type=jnp.float32)
    g_ref[...] = hw * dinv[:, None]
  return pl.pallas_call(
      body, out_shape=jax.ShapeDtypeStruct((N_NODES, D), jnp.float32),
  )(deg2, x, W1)


def _tc_mid(acc2, g1, deg2, b1, gm1, bt1, W2):
  def body(acc_ref, g_ref, deg_ref, b_ref, gm_ref, bt_ref, w_ref, out_ref):
    dinv = _dinv_from(deg_ref[...])
    acc = acc_ref[0, :N_NODES] + acc_ref[1, :N_NODES]
    pre = dinv[:, None] * (acc + g_ref[...]) + b_ref[...]
    h1 = jax.nn.relu(_bn(pre, gm_ref[...], bt_ref[...]))
    hw = jnp.dot(h1, w_ref[...], preferred_element_type=jnp.float32)
    out_ref[...] = hw * dinv[:, None]
  return pl.pallas_call(
      body, out_shape=jax.ShapeDtypeStruct((N_NODES, D), jnp.float32),
  )(acc2, g1, deg2, b1, gm1, bt1, W2)


def _tc_post(acc2, g2, deg2, b2, gm2, bt2, batch2d,
             LW1, Lb1, Lg1, Lbe1, LW2, Lb2, Lg2, Lbe2):
  def body(acc_ref, g_ref, deg_ref, b_ref, gm_ref, bt_ref, batch_ref,
           lw1_ref, lb1_ref, lg1_ref, lbe1_ref, lw2_ref, lb2_ref, lg2_ref,
           lbe2_ref, out_ref):
    dinv = _dinv_from(deg_ref[...])
    acc = acc_ref[0, :N_NODES] + acc_ref[1, :N_NODES]
    pre = dinv[:, None] * (acc + g_ref[...]) + b_ref[...]
    h2 = jax.nn.relu(_bn(pre, gm_ref[...], bt_ref[...]))
    gids = lax.broadcasted_iota(jnp.int32, (NUM_GRAPHS, N_NODES), 0)
    P = (gids == batch_ref[...]).astype(jnp.float32)
    cnts = jnp.sum(P, axis=1)
    sums = jnp.dot(P, h2, preferred_element_type=jnp.float32, precision=lax.Precision.HIGHEST)
    pooled = sums / jnp.maximum(cnts, 1.0)[:, None]
    z = jnp.dot(pooled, lw1_ref[...], preferred_element_type=jnp.float32)
    z = jax.nn.relu(_bn(z + lb1_ref[...], lg1_ref[...], lbe1_ref[...]))
    z = jnp.dot(z, lw2_ref[...], preferred_element_type=jnp.float32)
    out_ref[...] = _bn(z + lb2_ref[...], lg2_ref[...], lbe2_ref[...])
  return pl.pallas_call(
      body, out_shape=jax.ShapeDtypeStruct((NUM_GRAPHS, 1), jnp.float32),
  )(acc2, g2, deg2, b2, gm2, bt2, batch2d,
    LW1, Lb1, Lg1, Lbe1, LW2, Lb2, Lg2, Lbe2)


def kernel(x, edge_index, batch, W1, b1, g1, be1, W2, b2, g2, be2,
           LW1, Lb1, Lg1, Lbe1, LW2, Lb2, Lg2, Lbe2):
  src3d = edge_index[0].astype(jnp.int32).reshape(NW, EPT)
  dst3d = edge_index[1].astype(jnp.int32).reshape(NW, NCHUNK, CHUNK)
  dst3d_deg = edge_index[1].astype(jnp.int32).reshape(NW, DEG_NCHUNK, DEG_CHUNK)
  batch2d = batch.astype(jnp.int32).reshape(1, N_NODES)

  deg2 = _sc_deg(dst3d_deg)
  gm1 = _tc_pre(deg2, x, W1)
  acc1 = _sc_edge_pass(gm1, src3d, dst3d)
  gm2 = _tc_mid(acc1, gm1, deg2, b1, g1, be1, W2)
  acc2 = _sc_edge_pass(gm2, src3d, dst3d)
  return _tc_post(acc2, gm2, deg2, b2, g2, be2, batch2d,
                  LW1, Lb1, Lg1, Lbe1, LW2, Lb2, Lg2, Lbe2)

# --- scband reference (transcript-rebuilt; emitter-appended) ---
"""Pipeline reference for scband-gcnstandard-supervised-37821482009256 (READ-ONLY COPY).

The authoritative reference and input builder live on the scoring server;
editing this copy changes nothing except your own understanding.
"""

import jax, jax.numpy as jnp
import numpy as np

N_NODES = 10000
N_EDGES = 320000
D_IN = 128
CONV_CH = [128, 128]
OUT_CH = [64]
NUM_GRAPHS = 64
EPS = 1e-5


def _init_linear(key, fan_in, fan_out):
    k1, k2 = jax.random.split(key)
    bound = 1.0 / np.sqrt(fan_in)
    W = jax.random.uniform(k1, (fan_in, fan_out), minval=-bound, maxval=bound, dtype=jnp.float32)
    b = jax.random.uniform(k2, (fan_out,), minval=-bound, maxval=bound, dtype=jnp.float32)
    return W, b


def setup_inputs(seed: int = 0) -> dict:
    key = jax.random.key(seed)
    ks = jax.random.split(key, 12)
    x = jax.random.normal(ks[0], (N_NODES, D_IN), dtype=jnp.float32)
    edge_index = jax.random.randint(ks[1], (2, N_EDGES), 0, N_NODES, dtype=jnp.int64)
    batch = jnp.sort(jax.random.randint(ks[2], (N_NODES,), 0, NUM_GRAPHS, dtype=jnp.int64))
    W1, b1 = _init_linear(ks[3], D_IN, CONV_CH[0])
    W2, b2 = _init_linear(ks[4], CONV_CH[0], CONV_CH[1])
    LW1, Lb1 = _init_linear(ks[5], CONV_CH[1], OUT_CH[0])
    LW2, Lb2 = _init_linear(ks[6], OUT_CH[0], 1)
    g1 = jnp.ones((CONV_CH[0],), jnp.float32); be1 = jnp.zeros((CONV_CH[0],), jnp.float32)
    g2 = jnp.ones((CONV_CH[1],), jnp.float32); be2 = jnp.zeros((CONV_CH[1],), jnp.float32)
    Lg1 = jnp.ones((OUT_CH[0],), jnp.float32); Lbe1 = jnp.zeros((OUT_CH[0],), jnp.float32)
    Lg2 = jnp.ones((1,), jnp.float32); Lbe2 = jnp.zeros((1,), jnp.float32)
    return {"x": x, "edge_index": edge_index, "batch": batch,
            "W1": W1, "b1": b1, "g1": g1, "be1": be1,
            "W2": W2, "b2": b2, "g2": g2, "be2": be2,
            "LW1": LW1, "Lb1": Lb1, "Lg1": Lg1, "Lbe1": Lbe1,
            "LW2": LW2, "Lb2": Lb2, "Lg2": Lg2, "Lbe2": Lbe2}


def gcn_conv(h, edge_index, W, b):
    # PyG GCNConv: h' = D^{-1/2} (A+I) D^{-1/2} (h W) + b
    n = h.shape[0]
    h = h @ W
    loop = jnp.arange(n, dtype=edge_index.dtype)
    src = jnp.concatenate([edge_index[0], loop])
    dst = jnp.concatenate([edge_index[1], loop])
    deg = jnp.zeros((n,), jnp.float32).at[dst].add(1.0)
    dinv = jnp.where(deg > 0, deg ** -0.5, 0.0)
    norm = dinv[src] * dinv[dst]
    msg = h[src] * norm[:, None]
    out = jax.ops.segment_sum(msg, dst, num_segments=n)
    return out + b


def batch_norm(h, gamma, beta):
    mean = jnp.mean(h, axis=0)
    var = jnp.var(h, axis=0)
    return (h - mean) / jnp.sqrt(var + EPS) * gamma + beta


def reference(x, edge_index, batch, W1, b1, g1, be1, W2, b2, g2, be2, LW1, Lb1, Lg1, Lbe1, LW2, Lb2, Lg2, Lbe2):
    # conv block 1 (Dropout is identity in eval)
    h = gcn_conv(x, edge_index, W1, b1)
    h = batch_norm(h, g1, be1)
    h = jax.nn.relu(h)
    # conv block 2
    h = gcn_conv(h, edge_index, W2, b2)
    h = batch_norm(h, g2, be2)
    h = jax.nn.relu(h)
    # global mean pool per graph
    sums = jax.ops.segment_sum(h, batch, num_segments=NUM_GRAPHS)
    cnts = jax.ops.segment_sum(jnp.ones((h.shape[0],), jnp.float32), batch, num_segments=NUM_GRAPHS)
    pooled = sums / jnp.maximum(cnts, 1.0)[:, None]
    # linear classifier: Drop, Lin(128,64), BN(64), ReLU, Drop, Lin(64,1), BN(1)
    z = pooled @ LW1 + Lb1
    z = batch_norm(z, Lg1, Lbe1)
    z = jax.nn.relu(z)
    z = z @ LW2 + Lb2
    z = batch_norm(z, Lg2, Lbe2)
    return z

if __name__ == "__main__":
    import jax
    _d = setup_inputs()
    print(jax.jit(kernel)(*tuple(_d.values())))

</pallas_src>

<mosaic_0001>
#map = affine_map<(d0, d1) -> (0, 0, 0)>
#map1 = affine_map<(d0, d1) -> (0, 0)>
module attributes {stable_mosaic.version = 14 : i64} {
  func.func @deg_kernel(%arg0: i32, %arg1: i32, %arg2: memref<32x125x80xi32, #tpu.memory_space<hbm>>, %arg3: memref<2x10240xf32, #tpu.memory_space<hbm>>, %arg4: memref<125x80xi32, #tpu.memory_space<vmem>>, %arg5: memref<80xf32, #tpu.memory_space<vmem>>, %arg6: memref<640xf32, #tpu.memory_space<vmem>>, %arg7: memref<10240xf32, #tpu.memory_space<vmem_shared>>) attributes {dimension_semantics = [#tpu.dimension_semantics<core_parallel>, #tpu.dimension_semantics<subcore_parallel>], iteration_bounds = array<i64: 2, 16>, scalar_prefetch = 0 : i64, scratch_operands = 4 : i64, tpu.core_type = #tpu.core_type<sc_vector_subcore>, window_params = [{transform_indices = #map}, {transform_indices = #map1}]} {
    %mul3A = arith.constant 16 : i32
    %mul3A_0 = arith.muli %arg0, %mul3A : i32
    %add3A = arith.addi %mul3A_0, %arg1 : i32
    %broadcast_in_dim3A = arith.constant 0.000000e+00 : f32
    %broadcast_in_dim3A_1 = vector.broadcast %broadcast_in_dim3A : f32 to vector<16xf32>
    %broadcast_in_dim3A_2 = arith.constant 1.000000e+00 : f32
    %broadcast_in_dim3A_3 = vector.broadcast %broadcast_in_dim3A_2 : f32 to vector<16xf32>
    %scan3A = arith.constant 0 : i32
    %scan3A_4 = arith.constant 0 : i32
    %scan3A_5 = arith.constant 40 : i32
    %scan3A_6 = arith.addi %scan3A_4, %scan3A_5 : i32
    %scan3A_7 = arith.constant 1 : i32
    %scan3A_8 = scf.for %scan3A_39 = %scan3A_4 to %scan3A_6 step %scan3A_7 iter_args(%scan3A_40 = %scan3A) -> (i32)  : i32 {
      %mul3A_41 = arith.constant 16 : i32
      %mul3A_42 = arith.muli %scan3A_39, %mul3A_41 : i32
      %swap3A_43 = arith.index_cast %mul3A_42 : i32 to index
      %swap3A_44 = tpu.vector_load %arg6[%swap3A_43] {strides = array<i32>} : memref<640xf32, #tpu.memory_space<vmem>>, vector<16xf32>,
      %swap3A_45 = vector.shape_cast %swap3A_44 : vector<16xf32> to vector<16xf32>
      %swap3A_46 = vector.shape_cast %broadcast_in_dim3A_1 : vector<16xf32> to vector<16xf32>
      tpu.vector_store %arg6[%swap3A_43], %swap3A_46 {strides = array<i32>} : memref<640xf32, #tpu.memory_space<vmem>>, vector<16xf32>,
      %scan3A_47 = arith.constant 0 : i32
      scf.yield %scan3A_47 : i32
    }
    %scan3A_9 = arith.constant 40 : i32
    %swap3A = arith.constant 0 : index
    %swap3A_10 = tpu.vector_load %arg5[%swap3A] {strides = array<i32>} : memref<80xf32, #tpu.memory_space<vmem>>, vector<16xf32>,
    %swap3A_11 = vector.shape_cast %swap3A_10 : vector<16xf32> to vector<16xf32>
    %swap3A_12 = vector.shape_cast %broadcast_in_dim3A_3 : vector<16xf32> to vector<16xf32>
    tpu.vector_store %arg5[%swap3A], %swap3A_12 {strides = array<i32>} : memref<80xf32, #tpu.memory_space<vmem>>, vector<16xf32>,
    %swap3A_13 = arith.constant 16 : index
    %swap3A_14 = tpu.vector_load %arg5[%swap3A_13] {strides = array<i32>} : memref<80xf32, #tpu.memory_space<vmem>>, vector<16xf32>,
    %swap3A_15 = vector.shape_cast %swap3A_14 : vector<16xf32> to vector<16xf32>
    %swap3A_16 = vector.shape_cast %broadcast_in_dim3A_3 : vector<16xf32> to vector<16xf32>
    tpu.vector_store %arg5[%swap3A_13], %swap3A_16 {strides = array<i32>} : memref<80xf32, #tpu.memory_space<vmem>>, vector<16xf32>,
    %swap3A_17 = arith.constant 32 : index
    %swap3A_18 = tpu.vector_load %arg5[%swap3A_17] {strides = array<i32>} : memref<80xf32, #tpu.memory_space<vmem>>, vector<16xf32>,
    %swap3A_19 = vector.shape_cast %swap3A_18 : vector<16xf32> to vector<16xf32>
    %swap3A_20 = vector.shape_cast %broadcast_in_dim3A_3 : vector<16xf32> to vector<16xf32>
    tpu.vector_store %arg5[%swap3A_17], %swap3A_20 {strides = array<i32>} : memref<80xf32, #tpu.memory_space<vmem>>, vector<16xf32>,
    %swap3A_21 = arith.constant 48 : index
    %swap3A_22 = tpu.vector_load %arg5[%swap3A_21] {strides = array<i32>} : memref<80xf32, #tpu.memory_space<vmem>>, vector<16xf32>,
    %swap3A_23 = vector.shape_cast %swap3A_22 : vector<16xf32> to vector<16xf32>
    %swap3A_24 = vector.shape_cast %broadcast_in_dim3A_3 : vector<16xf32> to vector<16xf32>
    tpu.vector_store %arg5[%swap3A_21], %swap3A_24 {strides = array<i32>} : memref<80xf32, #tpu.memory_space<vmem>>, vector<16xf32>,
    %swap3A_25 = arith.constant 64 : index
    %swap3A_26 = tpu.vector_load %arg5[%swap3A_25] {strides = array<i32>} : memref<80xf32, #tpu.memory_space<vmem>>, vector<16xf32>,
    %swap3A_27 = vector.shape_cast %swap3A_26 : vector<16xf32> to vector<16xf32>
    %swap3A_28 = vector.shape_cast %broadcast_in_dim3A_3 : vector<16xf32> to vector<16xf32>
    tpu.vector_store %arg5[%swap3A_25], %swap3A_28 {strides = array<i32>} : memref<80xf32, #tpu.memory_space<vmem>>, vector<16xf32>,
    %mul3A_29 = arith.constant 640 : i32
    %mul3A_30 = arith.muli %arg1, %mul3A_29 : i32
    "tpu.region"() ({
      %run_scoped3A = tpu.sem_alloc : memref<!tpu.dma_semaphore, #tpu.memory_space<semaphore_mem>>
      %dma_start3A = tpu.memref_slice %arg7[%mul3A_30] : memref<10240xf32, #tpu.memory_space<vmem_shared>> -> memref<640xf32, #tpu.memory_space<vmem_shared>>
      %dma_start3A_39 = tpu.memref_slice %arg7[%mul3A_30] : memref<10240xf32, #tpu.memory_space<vmem_shared>> -> memref<640xf32, #tpu.memory_space<vmem_shared>>
      tpu.enqueue_dma source(%arg6 : memref<640xf32, #tpu.memory_space<vmem>>) target(%dma_start3A_39 : memref<640xf32, #tpu.memory_space<vmem_shared>>) target_semaphore(%run_scoped3A : memref<!tpu.dma_semaphore, #tpu.memory_space<semaphore_mem>>)
      %dma_wait3A = tpu.memref_slice %arg7[%mul3A_30] : memref<10240xf32, #tpu.memory_space<vmem_shared>> -> memref<640xf32, #tpu.memory_space<vmem_shared>>
      %dma_wait3A_40 = tpu.memref_slice %arg7[%mul3A_30] : memref<10240xf32, #tpu.memory_space<vmem_shared>> -> memref<640xf32, #tpu.memory_space<vmem_shared>>
      tpu.wait_dma2 semaphore(%run_scoped3A : memref<!tpu.dma_semaphore, #tpu.memory_space<semaphore_mem>>) src(%arg6 : memref<640xf32, #tpu.memory_space<vmem>>) dst(%dma_wait3A_40 : memref<640xf32, #tpu.memory_space<vmem_shared>>)
      tpu.yield
    }) : () -> ()
    "tpu.region"() ({
      %run_scoped3A = tpu.sem_alloc : memref<!tpu.dma_semaphore, #tpu.memory_space<semaphore_mem>>
      %dma_start3A = arith.constant 0 : i32
      %dma_start3A_39 = arith.constant 0 : i32
      %dma_start3A_40 = tpu.memref_slice %arg2[%add3A, %dma_start3A, %dma_start3A_39] : memref<32x125x80xi32, #tpu.memory_space<hbm>> -> memref<1x125x80xi32, #tpu.memory_space<hbm>>
      %dma_start3A_41 = tpu.memref_squeeze %dma_start3A_40 : memref<1x125x80xi32, #tpu.memory_space<hbm>> -> memref<125x80xi32, #tpu.memory_space<hbm>>
      %dma_start3A_42 = arith.constant 0 : i32
      %dma_start3A_43 = arith.constant 0 : i32
      %dma_start3A_44 = tpu.memref_slice %arg2[%add3A, %dma_start3A_42, %dma_start3A_43] : memref<32x125x80xi32, #tpu.memory_space<hbm>> -> memref<1x125x80xi32, #tpu.memory_space<hbm>>
      %dma_start3A_45 = tpu.memref_squeeze %dma_start3A_44 : memref<1x125x80xi32, #tpu.memory_space<hbm>> -> memref<125x80xi32, #tpu.memory_space<hbm>>
      tpu.enqueue_dma source(%dma_start3A_45 : memref<125x80xi32, #tpu.memory_space<hbm>>) target(%arg4 : memref<125x80xi32, #tpu.memory_space<vmem>>) target_semaphore(%run_scoped3A : memref<!tpu.dma_semaphore, #tpu.memory_space<semaphore_mem>>)
      %dma_wait3A = arith.constant 0 : i32
      %dma_wait3A_46 = arith.constant 0 : i32
      %dma_wait3A_47 = tpu.memref_slice %arg2[%add3A, %dma_wait3A, %dma_wait3A_46] : memref<32x125x80xi32, #tpu.memory_space<hbm>> -> memref<1x125x80xi32, #tpu.memory_space<hbm>>
      %dma_wait3A_48 = tpu.memref_squeeze %dma_wait3A_47 : memref<1x125x80xi32, #tpu.memory_space<hbm>> -> memref<125x80xi32, #tpu.memory_space<hbm>>
      %dma_wait3A_49 = arith.constant 0 : i32
      %dma_wait3A_50 = arith.constant 0 : i32
      %dma_wait3A_51 = tpu.memref_slice %arg2[%add3A, %dma_wait3A_49, %dma_wait3A_50] : memref<32x125x80xi32, #tpu.memory_space<hbm>> -> memref<1x125x80xi32, #tpu.memory_space<hbm>>
      %dma_wait3A_52 = tpu.memref_squeeze %dma_wait3A_51 : memref<1x125x80xi32, #tpu.memory_space<hbm>> -> memref<125x80xi32, #tpu.memory_space<hbm>>
      tpu.wait_dma2 semaphore(%run_scoped3A : memref<!tpu.dma_semaphore, #tpu.memory_space<semaphore_mem>>) src(%dma_wait3A_52 : memref<125x80xi32, #tpu.memory_space<hbm>>) dst(%arg4 : memref<125x80xi32, #tpu.memory_space<vmem>>)
      tpu.yield
    }) : () -> ()
    %barrier3A = arith.constant 0 : index
    tpu.barrier barrier_id(%barrier3A)
    %scan3A_31 = arith.constant 0 : i32
    %scan3A_32 = arith.constant 0 : i32
    %scan3A_33 = arith.constant 125 : i32
    %scan3A_34 = arith.addi %scan3A_32, %scan3A_33 : i32
    %scan3A_35 = arith.constant 1 : i32
    %scan3A_36 = scf.for %scan3A_39 = %scan3A_32 to %scan3A_34 step %scan3A_35 iter_args(%scan3A_40 = %scan3A_31) -> (i32)  : i32 {
      "tpu.region"() ({
        %run_scoped3A = tpu.sem_alloc : memref<!tpu.dma_semaphore, #tpu.memory_space<semaphore_mem>>
        %dma_start3A = arith.constant 0 : i32
        %dma_start3A_42 = tpu.memref_slice %arg4[%scan3A_39, %dma_start3A] : memref<125x80xi32, #tpu.memory_space<vmem>> -> memref<1x80xi32, #tpu.memory_space<vmem>>
        %dma_start3A_43 = tpu.memref_squeeze %dma_start3A_42 : memref<1x80xi32, #tpu.memory_space<vmem>> -> memref<80xi32, #tpu.memory_space<vmem>>
        %dma_start3A_44 = arith.constant 0 : i32
        %dma_start3A_45 = tpu.memref_slice %arg7[%dma_start3A_44] : memref<10240xf32, #tpu.memory_space<vmem_shared>> -> memref<10240xf32, #tpu.memory_space<vmem_shared>>
        tpu.enqueue_indirect_dma source(%arg5 : memref<80xf32, #tpu.memory_space<vmem>>) target(%dma_start3A_45 : memref<10240xf32, #tpu.memory_space<vmem_shared>>) offsets(%dma_start3A_43 : memref<80xi32, #tpu.memory_space<vmem>>) semaphore(%run_scoped3A : memref<!tpu.dma_semaphore, #tpu.memory_space<semaphore_mem>>) {add = true}
        %dma_wait3A = arith.constant 0 : i32
        %dma_wait3A_46 = tpu.memref_slice %arg4[%scan3A_39, %dma_wait3A] : memref<125x80xi32, #tpu.memory_space<vmem>> -> memref<1x80xi32, #tpu.memory_space<vmem>>
        %dma_wait3A_47 = tpu.memref_squeeze %dma_wait3A_46 : memref<1x80xi32, #tpu.memory_space<vmem>> -> memref<80xi32, #tpu.memory_space<vmem>>
        %dma_wait3A_48 = arith.constant 0 : i32
        %dma_wait3A_49 = tpu.memref_slice %arg7[%dma_wait3A_48] : memref<10240xf32, #tpu.memory_space<vmem_shared>> -> memref<10240xf32, #tpu.memory_space<vmem_shared>>
        tpu.wait_indirect_dma semaphore(%run_scoped3A : memref<!tpu.dma_semaphore, #tpu.memory_space<semaphore_mem>>) src(%arg5 : memref<80xf32, #tpu.memory_space<vmem>>) dst(%dma_wait3A_49 : memref<10240xf32, #tpu.memory_space<vmem_shared>>)
        tpu.yield
      }) : () -> ()
      %scan3A_41 = arith.constant 0 : i32
      scf.yield %scan3A_41 : i32
    }
    %scan3A_37 = arith.constant 125 : i32
    %barrier3A_38 = arith.constant 0 : index
    tpu.barrier barrier_id(%barrier3A_38)
    "tpu.region"() ({
      %run_scoped3A = tpu.sem_alloc : memref<!tpu.dma_semaphore, #tpu.memory_space<semaphore_mem>>
      %dma_start3A = tpu.memref_slice %arg3[%arg0, %mul3A_30] : memref<2x10240xf32, #tpu.memory_space<hbm>> -> memref<1x640xf32, #tpu.memory_space<hbm>>
      %dma_start3A_39 = tpu.memref_squeeze %dma_start3A : memref<1x640xf32, #tpu.memory_space<hbm>> -> memref<640xf32, #tpu.memory_space<hbm>>
      %dma_start3A_40 = tpu.memref_slice %arg7[%mul3A_30] : memref<10240xf32, #tpu.memory_space<vmem_shared>> -> memref<640xf32, #tpu.memory_space<vmem_shared>>
      tpu.enqueue_dma source(%dma_start3A_40 : memref<640xf32, #tpu.memory_space<vmem_shared>>) target(%dma_start3A_39 : memref<640xf32, #tpu.memory_space<hbm>>) target_semaphore(%run_scoped3A : memref<!tpu.dma_semaphore, #tpu.memory_space<semaphore_mem>>)
      %dma_wait3A = tpu.memref_slice %arg3[%arg0, %mul3A_30] : memref<2x10240xf32, #tpu.memory_space<hbm>> -> memref<1x640xf32, #tpu.memory_space<hbm>>
      %dma_wait3A_41 = tpu.memref_squeeze %dma_wait3A : memref<1x640xf32, #tpu.memory_space<hbm>> -> memref<640xf32, #tpu.memory_space<hbm>>
      %dma_wait3A_42 = tpu.memref_slice %arg7[%mul3A_30] : memref<10240xf32, #tpu.memory_space<vmem_shared>> -> memref<640xf32, #tpu.memory_space<vmem_shared>>
      tpu.wait_dma2 semaphore(%run_scoped3A : memref<!tpu.dma_semaphore, #tpu.memory_space<semaphore_mem>>) src(%dma_wait3A_42 : memref<640xf32, #tpu.memory_space<vmem_shared>>) dst(%dma_wait3A_41 : memref<640xf32, #tpu.memory_space<hbm>>)
      tpu.yield
    }) : () -> ()
    return
  }
}

#map = affine_map<(d0, d1) -> (0, 0)>
#map1 = affine_map<(d0, d1) -> (0, 0, 0)>
module attributes {stable_mosaic.version = 14 : i64} {
  func.func @edge_kernel(%arg0: i32, %arg1: i32, %arg2: memref<10000x128xf32, #tpu.memory_space<hbm>>, %arg3: memref<32x10000xi32, #tpu.memory_space<hbm>>, %arg4: memref<32x125x80xi32, #tpu.memory_space<hbm>>, %arg5: memref<2x10240x128xf32, #tpu.memory_space<hbm>>, %arg6: memref<10000xi32, #tpu.memory_space<vmem>>, %arg7: memref<125x80xi32, #tpu.memory_space<vmem>>, %arg8: memref<2x80x128xf32, #tpu.memory_space<vmem>>, %arg9: memref<10240x128xf32, #tpu.memory_space<vmem_shared>>, %arg10: memref<!tpu.dma_semaphore, #tpu.memory_space<semaphore_mem>>, %arg11: memref<!tpu.dma_semaphore, #tpu.memory_space<semaphore_mem>>) attributes {dimension_semantics = [#tpu.dimension_semantics<core_parallel>, #tpu.dimension_semantics<subcore_parallel>], iteration_bounds = array<i64: 2, 16>, scalar_prefetch = 0 : i64, scratch_operands = 6 : i64, tpu.core_type = #tpu.core_type<sc_vector_subcore>, window_params = [{transform_indices = #map}, {transform_indices = #map}, {transform_indices = #map1}, {transform_indices = #map1}]} {
    %mul3A = arith.constant 16 : i32
    %mul3A_0 = arith.muli %arg0, %mul3A : i32
    %add3A = arith.addi %mul3A_0, %arg1 : i32
    %broadcast_in_dim3A = arith.constant 0.000000e+00 : f32
    %broadcast_in_dim3A_1 = vector.broadcast %broadcast_in_dim3A : f32 to vector<16xf32>
    %scan3A = arith.constant 0 : i32
    %scan3A_2 = arith.constant 0 : i32
    %scan3A_3 = arith.constant 80 : i32
    %scan3A_4 = arith.addi %scan3A_2, %scan3A_3 : i32
    %scan3A_5 = arith.constant 1 : i32
    %scan3A_6 = scf.for %scan3A_47 = %scan3A_2 to %scan3A_4 step %scan3A_5 iter_args(%scan3A_48 = %scan3A) -> (i32)  : i32 {
      %swap3A = arith.constant 0 : i32
      %swap3A_49 = arith.index_cast %swap3A : i32 to index
      %swap3A_50 = arith.index_cast %scan3A_47 : i32 to index
      %swap3A_51 = arith.constant 0 : index
      %swap3A_52 = tpu.vector_load %arg8[%swap3A_49, %swap3A_50, %swap3A_51] {strides = array<i32>} : memref<2x80x128xf32, #tpu.memory_space<vmem>>, vector<1x1x16xf32>,
      %swap3A_53 = vector.shape_cast %swap3A_52 : vector<1x1x16xf32> to vector<16xf32>
      %swap3A_54 = vector.shape_cast %broadcast_in_dim3A_1 : vector<16xf32> to vector<1x1x16xf32>
      tpu.vector_store %arg8[%swap3A_49, %swap3A_50, %swap3A_51], %swap3A_54 {strides = array<i32>} : memref<2x80x128xf32, #tpu.memory_space<vmem>>, vector<1x1x16xf32>,
      %swap3A_55 = arith.constant 0 : i32
      %swap3A_56 = arith.index_cast %swap3A_55 : i32 to index
      %swap3A_57 = arith.index_cast %scan3A_47 : i32 to index
      %swap3A_58 = arith.constant 16 : index
      %swap3A_59 = tpu.vector_load %arg8[%swap3A_56, %swap3A_57, %swap3A_58] {strides = array<i32>} : memref<2x80x128xf32, #tpu.memory_space<vmem>>, vector<1x1x16xf32>,
      %swap3A_60 = vector.shape_cast %swap3A_59 : vector<1x1x16xf32> to vector<16xf32>
      %swap3A_61 = vector.shape_cast %broadcast_in_dim3A_1 : vector<16xf32> to vector<1x1x16xf32>
      tpu.vector_store %arg8[%swap3A_56, %swap3A_57, %swap3A_58], %swap3A_61 {strides = array<i32>} : memref<2x80x128xf32, #tpu.memory_space<vmem>>, vector<1x1x16xf32>,
      %swap3A_62 = arith.constant 0 : i32
      %swap3A_63 = arith.index_cast %swap3A_62 : i32 to index
      %swap3A_64 = arith.index_cast %scan3A_47 : i32 to index
      %swap3A_65 = arith.constant 32 : index
      %swap3A_66 = tpu.vector_load %arg8[%swap3A_63, %swap3A_64, %swap3A_65] {strides = array<i32>} : memref<2x80x128xf32, #tpu.memory_space<vmem>>, vector<1x1x16xf32>,
      %swap3A_67 = vector.shape_cast %swap3A_66 : vector<1x1x16xf32> to vector<16xf32>
      %swap3A_68 = vector.shape_cast %broadcast_in_dim3A_1 : vector<16xf32> to vector<1x1x16xf32>
      tpu.vector_store %arg8[%swap3A_63, %swap3A_64, %swap3A_65], %swap3A_68 {strides = array<i32>} : memref<2x80x128xf32, #tpu.memory_space<vmem>>, vector<1x1x16xf32>,
      %swap3A_69 = arith.constant 0 : i32
      %swap3A_70 = arith.index_cast %swap3A_69 : i32 to index
      %swap3A_71 = arith.index_cast %scan3A_47 : i32 to index
      %swap3A_72 = arith.constant 48 : index
      %swap3A_73 = tpu.vector_load %arg8[%swap3A_70, %swap3A_71, %swap3A_72] {strides = array<i32>} : memref<2x80x128xf32, #tpu.memory_space<vmem>>, vector<1x1x16xf32>,
      %swap3A_74 = vector.shape_cast %swap3A_73 : vector<1x1x16xf32> to vector<16xf32>
      %swap3A_75 = vector.shape_cast %broadcast_in_dim3A_1 : vector<16xf32> to vector<1x1x16xf32>
      tpu.vector_store %arg8[%swap3A_70, %swap3A_71, %swap3A_72], %swap3A_75 {strides = array<i32>} : memref<2x80x128xf32, #tpu.memory_space<vmem>>, vector<1x1x16xf32>,
      %swap3A_76 = arith.constant 0 : i32
      %swap3A_77 = arith.index_cast %swap3A_76 : i32 to index
      %swap3A_78 = arith.index_cast %scan3A_47 : i32 to index
      %swap3A_79 = arith.constant 64 : index
      %swap3A_80 = tpu.vector_load %arg8[%swap3A_77, %swap3A_78, %swap3A_79] {strides = array<i32>} : memref<2x80x128xf32, #tpu.memory_space<vmem>>, vector<1x1x16xf32>,
      %swap3A_81 = vector.shape_cast %swap3A_80 : vector<1x1x16xf32> to vector<16xf32>
      %swap3A_82 = vector.shape_cast %broadcast_in_dim3A_1 : vector<16xf32> to vector<1x1x16xf32>
      tpu.vector_store %arg8[%swap3A_77, %swap3A_78, %swap3A_79], %swap3A_82 {strides = array<i32>} : memref<2x80x128xf32, #tpu.memory_space<vmem>>, vector<1x1x16xf32>,
      %swap3A_83 = arith.constant 0 : i32
      %swap3A_84 = arith.index_cast %swap3A_83 : i32 to index
      %swap3A_85 = arith.index_cast %scan3A_47 : i32 to index
      %swap3A_86 = arith.constant 80 : index
      %swap3A_87 = tpu.vector_load %arg8[%swap3A_84, %swap3A_85, %swap3A_86] {strides = array<i32>} : memref<2x80x128xf32, #tpu.memory_space<vmem>>, vector<1x1x16xf32>,
      %swap3A_88 = vector.shape_cast %swap3A_87 : vector<1x1x16xf32> to vector<16xf32>
      %swap3A_89 = vector.shape_cast %broadcast_in_dim3A_1 : vector<16xf32> to vector<1x1x16xf32>
      tpu.vector_store %arg8[%swap3A_84, %swap3A_85, %swap3A_86], %swap3A_89 {strides = array<i32>} : memref<2x80x128xf32, #tpu.memory_space<vmem>>, vector<1x1x16xf32>,
      %swap3A_90 = arith.constant 0 : i32
      %swap3A_91 = arith.index_cast %swap3A_90 : i32 to index
      %swap3A_92 = arith.index_cast %scan3A_47 : i32 to index
      %swap3A_93 = arith.constant 96 : index
      %swap3A_94 = tpu.vector_load %arg8[%swap3A_91, %swap3A_92, %swap3A_93] {strides = array<i32>} : memref<2x80x128xf32, #tpu.memory_space<vmem>>, vector<1x1x16xf32>,
      %swap3A_95 = vector.shape_cast %swap3A_94 : vector<1x1x16xf32> to vector<16xf32>
      %swap3A_96 = vector.shape_cast %broadcast_in_dim3A_1 : vector<16xf32> to vector<1x1x16xf32>
      tpu.vector_store %arg8[%swap3A_91, %swap3A_92, %swap3A_93], %swap3A_96 {strides = array<i32>} : memref<2x80x128xf32, #tpu.memory_space<vmem>>, vector<1x1x16xf32>,
      %swap3A_97 = arith.constant 0 : i32
      %swap3A_98 = arith.index_cast %swap3A_97 : i32 to index
      %swap3A_99 = arith.index_cast %scan3A_47 : i32 to index
      %swap3A_100 = arith.constant 112 : index
      %swap3A_101 = tpu.vector_load %arg8[%swap3A_98, %swap3A_99, %swap3A_100] {strides = array<i32>} : memref<2x80x128xf32, #tpu.memory_space<vmem>>, vector<1x1x16xf32>,
      %swap3A_102 = vector.shape_cast %swap3A_101 : vector<1x1x16xf32> to vector<16xf32>
      %swap3A_103 = vector.shape_cast %broadcast_in_dim3A_1 : vector<16xf32> to vector<1x1x16xf32>
      tpu.vector_store %arg8[%swap3A_98, %swap3A_99, %swap3A_100], %swap3A_103 {strides = array<i32>} : memref<2x80x128xf32, #tpu.memory_space<vmem>>, vector<1x1x16xf32>,
      %scan3A_104 = arith.constant 0 : i32
      scf.yield %scan3A_104 : i32
    }
    %scan3A_7 = arith.constant 80 : i32
    %scan3A_8 = arith.constant 0 : i32
    %scan3A_9 = arith.constant 0 : i32
    %scan3A_10 = arith.constant 8 : i32
    %scan3A_11 = arith.addi %scan3A_9, %scan3A_10 : i32
    %scan3A_12 = arith.constant 1 : i32
    %scan3A_13 = scf.for %scan3A_47 = %scan3A_9 to %scan3A_11 step %scan3A_12 iter_args(%scan3A_48 = %scan3A_8) -> (i32)  : i32 {
      %mul3A_49 = arith.constant 640 : i32
      %mul3A_50 = arith.muli %arg1, %mul3A_49 : i32
      %mul3A_51 = arith.constant 80 : i32
      %mul3A_52 = arith.muli %scan3A_47, %mul3A_51 : i32
      %add3A_53 = arith.addi %mul3A_50, %mul3A_52 : i32
      %run_scoped3A = arith.constant 0 : i32
      "tpu.region"() ({
        %run_scoped3A_55 = tpu.sem_alloc : memref<!tpu.dma_semaphore, #tpu.memory_space<semaphore_mem>>
        %dma_start3A_56 = arith.constant 0 : i32
        %dma_start3A_57 = arith.constant 0 : i32
        %dma_start3A_58 = tpu.memref_slice %arg8[%run_scoped3A, %dma_start3A_56, %dma_start3A_57] : memref<2x80x128xf32, #tpu.memory_space<vmem>> -> memref<1x80x128xf32, #tpu.memory_space<vmem>>
        %dma_start3A_59 = tpu.memref_squeeze %dma_start3A_58 : memref<1x80x128xf32, #tpu.memory_space<vmem>> -> memref<80x128xf32, #tpu.memory_space<vmem>>
        %dma_start3A_60 = arith.constant 0 : i32
        %dma_start3A_61 = tpu.memref_slice %arg9[%add3A_53, %dma_start3A_60] : memref<10240x128xf32, #tpu.memory_space<vmem_shared>> -> memref<80x128xf32, #tpu.memory_space<vmem_shared>>
        %dma_start3A_62 = arith.constant 0 : i32
        %dma_start3A_63 = tpu.memref_slice %arg9[%add3A_53, %dma_start3A_62] : memref<10240x128xf32, #tpu.memory_space<vmem_shared>> -> memref<80x128xf32, #tpu.memory_space<vmem_shared>>
        %dma_start3A_64 = arith.constant 0 : i32
        %dma_start3A_65 = arith.constant 0 : i32
        %dma_start3A_66 = tpu.memref_slice %arg8[%run_scoped3A, %dma_start3A_64, %dma_start3A_65] : memref<2x80x128xf32, #tpu.memory_space<vmem>> -> memref<1x80x128xf32, #tpu.memory_space<vmem>>
        %dma_start3A_67 = tpu.memref_squeeze %dma_start3A_66 : memref<1x80x128xf32, #tpu.memory_space<vmem>> -> memref<80x128xf32, #tpu.memory_space<vmem>>
        tpu.enqueue_dma source(%dma_start3A_67 : memref<80x128xf32, #tpu.memory_space<vmem>>) target(%dma_start3A_63 : memref<80x128xf32, #tpu.memory_space<vmem_shared>>) target_semaphore(%run_scoped3A_55 : memref<!tpu.dma_semaphore, #tpu.memory_space<semaphore_mem>>)
        %dma_wait3A_68 = arith.constant 0 : i32
        %dma_wait3A_69 = arith.constant 0 : i32
        %dma_wait3A_70 = tpu.memref_slice %arg8[%run_scoped3A, %dma_wait3A_68, %dma_wait3A_69] : memref<2x80x128xf32, #tpu.memory_space<vmem>> -> memref<1x80x128xf32, #tpu.memory_space<vmem>>
        %dma_wait3A_71 = tpu.memref_squeeze %dma_wait3A_70 : memref<1x80x128xf32, #tpu.memory_space<vmem>> -> memref<80x128xf32, #tpu.memory_space<vmem>>
        %dma_wait3A_72 = arith.constant 0 : i32
        %dma_wait3A_73 = tpu.memref_slice %arg9[%add3A_53, %dma_wait3A_72] : memref<10240x128xf32, #tpu.memory_space<vmem_shared>> -> memref<80x128xf32, #tpu.memory_space<vmem_shared>>
        %dma_wait3A_74 = arith.constant 0 : i32
        %dma_wait3A_75 = tpu.memref_slice %arg9[%add3A_53, %dma_wait3A_74] : memref<10240x128xf32, #tpu.memory_space<vmem_shared>> -> memref<80x128xf32, #tpu.memory_space<vmem_shared>>
        %dma_wait3A_76 = arith.constant 0 : i32
        %dma_wait3A_77 = arith.constant 0 : i32
        %dma_wait3A_78 = tpu.memref_slice %arg8[%run_scoped3A, %dma_wait3A_76, %dma_wait3A_77] : memref<2x80x128xf32, #tpu.memory_space<vmem>> -> memref<1x80x128xf32, #tpu.memory_space<vmem>>
        %dma_wait3A_79 = tpu.memref_squeeze %dma_wait3A_78 : memref<1x80x128xf32, #tpu.memory_space<vmem>> -> memref<80x128xf32, #tpu.memory_space<vmem>>
        tpu.wait_dma2 semaphore(%run_scoped3A_55 : memref<!tpu.dma_semaphore, #tpu.memory_space<semaphore_mem>>) src(%dma_wait3A_79 : memref<80x128xf32, #tpu.memory_space<vmem>>) dst(%dma_wait3A_75 : memref<80x128xf32, #tpu.memory_space<vmem_shared>>)
        tpu.yield
      }) : () -> ()
      %scan3A_54 = arith.constant 0 : i32
      scf.yield %scan3A_54 : i32
    }
    %scan3A_14 = arith.constant 8 : i32
    "tpu.region"() ({
      %run_scoped3A = tpu.sem_alloc : memref<!tpu.dma_semaphore, #tpu.memory_space<semaphore_mem>>
      %dma_start3A_47 = arith.constant 0 : i32
      %dma_start3A_48 = tpu.memref_slice %arg3[%add3A, %dma_start3A_47] : memref<32x10000xi32, #tpu.memory_space<hbm>> -> memref<1x10000xi32, #tpu.memory_space<hbm>>
      %dma_start3A_49 = tpu.memref_squeeze %dma_start3A_48 : memref<1x10000xi32, #tpu.memory_space<hbm>> -> memref<10000xi32, #tpu.memory_space<hbm>>
      %dma_start3A_50 = arith.constant 0 : i32
      %dma_start3A_51 = tpu.memref_slice %arg3[%add3A, %dma_start3A_50] : memref<32x10000xi32, #tpu.memory_space<hbm>> -> memref<1x10000xi32, #tpu.memory_space<hbm>>
      %dma_start3A_52 = tpu.memref_squeeze %dma_start3A_51 : memref<1x10000xi32, #tpu.memory_space<hbm>> -> memref<10000xi32, #tpu.memory_space<hbm>>
      tpu.enqueue_dma source(%dma_start3A_52 : memref<10000xi32, #tpu.memory_space<hbm>>) target(%arg6 : memref<10000xi32, #tpu.memory_space<vmem>>) target_semaphore(%run_scoped3A : memref<!tpu.dma_semaphore, #tpu.memory_space<semaphore_mem>>)
      %dma_wait3A_53 = arith.constant 0 : i32
      %dma_wait3A_54 = tpu.memref_slice %arg3[%add3A, %dma_wait3A_53] : memref<32x10000xi32, #tpu.memory_space<hbm>> -> memref<1x10000xi32, #tpu.memory_space<hbm>>
      %dma_wait3A_55 = tpu.memref_squeeze %dma_wait3A_54 : memref<1x10000xi32, #tpu.memory_space<hbm>> -> memref<10000xi32, #tpu.memory_space<hbm>>
      %dma_wait3A_56 = arith.constant 0 : i32
      %dma_wait3A_57 = tpu.memref_slice %arg3[%add3A, %dma_wait3A_56] : memref<32x10000xi32, #tpu.memory_space<hbm>> -> memref<1x10000xi32, #tpu.memory_space<hbm>>
      %dma_wait3A_58 = tpu.memref_squeeze %dma_wait3A_57 : memref<1x10000xi32, #tpu.memory_space<hbm>> -> memref<10000xi32, #tpu.memory_space<hbm>>
      tpu.wait_dma2 semaphore(%run_scoped3A : memref<!tpu.dma_semaphore, #tpu.memory_space<semaphore_mem>>) src(%dma_wait3A_58 : memref<10000xi32, #tpu.memory_space<hbm>>) dst(%arg6 : memref<10000xi32, #tpu.memory_space<vmem>>)
      tpu.yield
    }) : () -> ()
    "tpu.region"() ({
      %run_scoped3A = tpu.sem_alloc : memref<!tpu.dma_semaphore, #tpu.memory_space<semaphore_mem>>
      %dma_start3A_47 = arith.constant 0 : i32
      %dma_start3A_48 = arith.constant 0 : i32
      %dma_start3A_49 = tpu.memref_slice %arg4[%add3A, %dma_start3A_47, %dma_start3A_48] : memref<32x125x80xi32, #tpu.memory_space<hbm>> -> memref<1x125x80xi32, #tpu.memory_space<hbm>>
      %dma_start3A_50 = tpu.memref_squeeze %dma_start3A_49 : memref<1x125x80xi32, #tpu.memory_space<hbm>> -> memref<125x80xi32, #tpu.memory_space<hbm>>
      %dma_start3A_51 = arith.constant 0 : i32
      %dma_start3A_52 = arith.constant 0 : i32
      %dma_start3A_53 = tpu.memref_slice %arg4[%add3A, %dma_start3A_51, %dma_start3A_52] : memref<32x125x80xi32, #tpu.memory_space<hbm>> -> memref<1x125x80xi32, #tpu.memory_space<hbm>>
      %dma_start3A_54 = tpu.memref_squeeze %dma_start3A_53 : memref<1x125x80xi32, #tpu.memory_space<hbm>> -> memref<125x80xi32, #tpu.memory_space<hbm>>
      tpu.enqueue_dma source(%dma_start3A_54 : memref<125x80xi32, #tpu.memory_space<hbm>>) target(%arg7 : memref<125x80xi32, #tpu.memory_space<vmem>>) target_semaphore(%run_scoped3A : memref<!tpu.dma_semaphore, #tpu.memory_space<semaphore_mem>>)
      %dma_wait3A_55 = arith.constant 0 : i32
      %dma_wait3A_56 = arith.constant 0 : i32
      %dma_wait3A_57 = tpu.memref_slice %arg4[%add3A, %dma_wait3A_55, %dma_wait3A_56] : memref<32x125x80xi32, #tpu.memory_space<hbm>> -> memref<1x125x80xi32, #tpu.memory_space<hbm>>
      %dma_wait3A_58 = tpu.memref_squeeze %dma_wait3A_57 : memref<1x125x80xi32, #tpu.memory_space<hbm>> -> memref<125x80xi32, #tpu.memory_space<hbm>>
      %dma_wait3A_59 = arith.constant 0 : i32
      %dma_wait3A_60 = arith.constant 0 : i32
      %dma_wait3A_61 = tpu.memref_slice %arg4[%add3A, %dma_wait3A_59, %dma_wait3A_60] : memref<32x125x80xi32, #tpu.memory_space<hbm>> -> memref<1x125x80xi32, #tpu.memory_space<hbm>>
      %dma_wait3A_62 = tpu.memref_squeeze %dma_wait3A_61 : memref<1x125x80xi32, #tpu.memory_space<hbm>> -> memref<125x80xi32, #tpu.memory_space<hbm>>
      tpu.wait_dma2 semaphore(%run_scoped3A : memref<!tpu.dma_semaphore, #tpu.memory_space<semaphore_mem>>) src(%dma_wait3A_62 : memref<125x80xi32, #tpu.memory_space<hbm>>) dst(%arg7 : memref<125x80xi32, #tpu.memory_space<vmem>>)
      tpu.yield
    }) : () -> ()
    %barrier3A = arith.constant 0 : index
    tpu.barrier barrier_id(%barrier3A)
    %dma_start3A = arith.constant 0 : i32
    %dma_start3A_15 = arith.constant 0 : i32
    %dma_start3A_16 = arith.constant 0 : i32
    %dma_start3A_17 = tpu.memref_slice %arg8[%dma_start3A, %dma_start3A_15, %dma_start3A_16] : memref<2x80x128xf32, #tpu.memory_space<vmem>> -> memref<1x80x128xf32, #tpu.memory_space<vmem>>
    %dma_start3A_18 = tpu.memref_squeeze %dma_start3A_17 : memref<1x80x128xf32, #tpu.memory_space<vmem>> -> memref<80x128xf32, #tpu.memory_space<vmem>>
    %dma_start3A_19 = arith.constant 0 : i32
    %dma_start3A_20 = tpu.memref_slice %arg6[%dma_start3A_19] : memref<10000xi32, #tpu.memory_space<vmem>> -> memref<80xi32, #tpu.memory_space<vmem>>
    %dma_start3A_21 = arith.constant 0 : i32
    %dma_start3A_22 = arith.constant 0 : i32
    %dma_start3A_23 = tpu.memref_slice %arg2[%dma_start3A_21, %dma_start3A_22] : memref<10000x128xf32, #tpu.memory_space<hbm>> -> memref<10000x128xf32, #tpu.memory_space<hbm>>
    tpu.enqueue_indirect_dma source(%dma_start3A_23 : memref<10000x128xf32, #tpu.memory_space<hbm>>) target(%dma_start3A_18 : memref<80x128xf32, #tpu.memory_space<vmem>>) offsets(%dma_start3A_20 : memref<80xi32, #tpu.memory_space<vmem>>) semaphore(%arg10 : memref<!tpu.dma_semaphore, #tpu.memory_space<semaphore_mem>>)
    %scan3A_24 = arith.constant 0 : i32
    %scan3A_25 = arith.constant 0 : i32
    %scan3A_26 = arith.constant 125 : i32
    %scan3A_27 = arith.addi %scan3A_25, %scan3A_26 : i32
    %scan3A_28 = arith.constant 1 : i32
    %scan3A_29 = scf.for %scan3A_47 = %scan3A_25 to %scan3A_27 step %scan3A_28 iter_args(%scan3A_48 = %scan3A_24) -> (i32)  : i32 {
      %rem3A = arith.constant 2 : i32
      %rem3A_49 = arith.remsi %scan3A_47, %rem3A : i32
      %sub3A = arith.constant 1 : i32
      %sub3A_50 = arith.subi %sub3A, %rem3A_49 : i32
      %mul3A_51 = arith.constant 80 : i32
      %mul3A_52 = arith.muli %scan3A_47, %mul3A_51 : i32
      %dma_wait3A_53 = arith.constant 0 : i32
      %dma_wait3A_54 = arith.constant 0 : i32
      %dma_wait3A_55 = tpu.memref_slice %arg8[%rem3A_49, %dma_wait3A_53, %dma_wait3A_54] : memref<2x80x128xf32, #tpu.memory_space<vmem>> -> memref<1x80x128xf32, #tpu.memory_space<vmem>>
      %dma_wait3A_56 = tpu.memref_squeeze %dma_wait3A_55 : memref<1x80x128xf32, #tpu.memory_space<vmem>> -> memref<80x128xf32, #tpu.memory_space<vmem>>
      %dma_wait3A_57 = tpu.memref_slice %arg6[%mul3A_52] : memref<10000xi32, #tpu.memory_space<vmem>> -> memref<80xi32, #tpu.memory_space<vmem>>
      %dma_wait3A_58 = arith.constant 0 : i32
      %dma_wait3A_59 = arith.constant 0 : i32
      %dma_wait3A_60 = tpu.memref_slice %arg2[%dma_wait3A_58, %dma_wait3A_59] : memref<10000x128xf32, #tpu.memory_space<hbm>> -> memref<10000x128xf32, #tpu.memory_space<hbm>>
      tpu.wait_indirect_dma semaphore(%arg10 : memref<!tpu.dma_semaphore, #tpu.memory_space<semaphore_mem>>) src(%dma_wait3A_60 : memref<10000x128xf32, #tpu.memory_space<hbm>>) dst(%dma_wait3A_56 : memref<80x128xf32, #tpu.memory_space<vmem>>)
      %gt3A = arith.constant 0 : i32
      %gt3A_61 = arith.cmpi sgt, %scan3A_47, %gt3A : i32
      %convert_element_type3A = arith.extui %gt3A_61 : i1 to i32
      %cond3A = arith.constant 0 : i32
      %cond3A_62 = arith.cmpi ne, %convert_element_type3A, %cond3A : i32
      scf.if %cond3A_62 {
        %sub3A_78 = arith.constant 1 : i32
        %sub3A_79 = arith.subi %scan3A_47, %sub3A_78 : i32
        %dma_wait3A_80 = arith.constant 0 : i32
        %dma_wait3A_81 = arith.constant 0 : i32
        %dma_wait3A_82 = tpu.memref_slice %arg8[%sub3A_50, %dma_wait3A_80, %dma_wait3A_81] : memref<2x80x128xf32, #tpu.memory_space<vmem>> -> memref<1x80x128xf32, #tpu.memory_space<vmem>>
        %dma_wait3A_83 = tpu.memref_squeeze %dma_wait3A_82 : memref<1x80x128xf32, #tpu.memory_space<vmem>> -> memref<80x128xf32, #tpu.memory_space<vmem>>
        %dma_wait3A_84 = arith.constant 0 : i32
        %dma_wait3A_85 = tpu.memref_slice %arg7[%sub3A_79, %dma_wait3A_84] : memref<125x80xi32, #tpu.memory_space<vmem>> -> memref<1x80xi32, #tpu.memory_space<vmem>>
        %dma_wait3A_86 = tpu.memref_squeeze %dma_wait3A_85 : memref<1x80xi32, #tpu.memory_space<vmem>> -> memref<80xi32, #tpu.memory_space<vmem>>
        %dma_wait3A_87 = arith.constant 0 : i32
        %dma_wait3A_88 = arith.constant 0 : i32
        %dma_wait3A_89 = tpu.memref_slice %arg9[%dma_wait3A_87, %dma_wait3A_88] : memref<10240x128xf32, #tpu.memory_space<vmem_shared>> -> memref<10240x128xf32, #tpu.memory_space<vmem_shared>>
        tpu.wait_indirect_dma semaphore(%arg11 : memref<!tpu.dma_semaphore, #tpu.memory_space<semaphore_mem>>) src(%dma_wait3A_83 : memref<80x128xf32, #tpu.memory_space<vmem>>) dst(%dma_wait3A_89 : memref<10240x128xf32, #tpu.memory_space<vmem_shared>>)
      } else {
      }
      %lt3A = arith.constant 124 : i32
      %lt3A_63 = arith.cmpi slt, %scan3A_47, %lt3A : i32
      %convert_element_type3A_64 = arith.extui %lt3A_63 : i1 to i32
      %cond3A_65 = arith.constant 0 : i32
      %cond3A_66 = arith.cmpi ne, %convert_element_type3A_64, %cond3A_65 : i32
      scf.if %cond3A_66 {
        %add3A_78 = arith.constant 1 : i32
        %add3A_79 = arith.addi %scan3A_47, %add3A_78 : i32
        %mul3A_80 = arith.constant 80 : i32
        %mul3A_81 = arith.muli %add3A_79, %mul3A_80 : i32
        %dma_start3A_82 = arith.constant 0 : i32
        %dma_start3A_83 = arith.constant 0 : i32
        %dma_start3A_84 = tpu.memref_slice %arg8[%sub3A_50, %dma_start3A_82, %dma_start3A_83] : memref<2x80x128xf32, #tpu.memory_space<vmem>> -> memref<1x80x128xf32, #tpu.memory_space<vmem>>
        %dma_start3A_85 = tpu.memref_squeeze %dma_start3A_84 : memref<1x80x128xf32, #tpu.memory_space<vmem>> -> memref<80x128xf32, #tpu.memory_space<vmem>>
        %dma_start3A_86 = tpu.memref_slice %arg6[%mul3A_81] : memref<10000xi32, #tpu.memory_space<vmem>> -> memref<80xi32, #tpu.memory_space<vmem>>
        %dma_start3A_87 = arith.constant 0 : i32
        %dma_start3A_88 = arith.constant 0 : i32
        %dma_start3A_89 = tpu.memref_slice %arg2[%dma_start3A_87, %dma_start3A_88] : memref<10000x128xf32, #tpu.memory_space<hbm>> -> memref<10000x128xf32, #tpu.memory_space<hbm>>
        tpu.enqueue_indirect_dma source(%dma_start3A_89 : memref<10000x128xf32, #tpu.memory_space<hbm>>) target(%dma_start3A_85 : memref<80x128xf32, #tpu.memory_space<vmem>>) offsets(%dma_start3A_86 : memref<80xi32, #tpu.memory_space<vmem>>) semaphore(%arg10 : memref<!tpu.dma_semaphore, #tpu.memory_space<semaphore_mem>>)
      } else {
      }
      %dma_start3A_67 = arith.constant 0 : i32
      %dma_start3A_68 = arith.constant 0 : i32
      %dma_start3A_69 = tpu.memref_slice %arg8[%rem3A_49, %dma_start3A_67, %dma_start3A_68] : memref<2x80x128xf32, #tpu.memory_space<vmem>> -> memref<1x80x128xf32, #tpu.memory_space<vmem>>
      %dma_start3A_70 = tpu.memref_squeeze %dma_start3A_69 : memref<1x80x128xf32, #tpu.memory_space<vmem>> -> memref<80x128xf32, #tpu.memory_space<vmem>>
      %dma_start3A_71 = arith.constant 0 : i32
      %dma_start3A_72 = tpu.memref_slice %arg7[%scan3A_47, %dma_start3A_71] : memref<125x80xi32, #tpu.memory_space<vmem>> -> memref<1x80xi32, #tpu.memory_space<vmem>>
      %dma_start3A_73 = tpu.memref_squeeze %dma_start3A_72 : memref<1x80xi32, #tpu.memory_space<vmem>> -> memref<80xi32, #tpu.memory_space<vmem>>
      %dma_start3A_74 = arith.constant 0 : i32
      %dma_start3A_75 = arith.constant 0 : i32
      %dma_start3A_76 = tpu.memref_slice %arg9[%dma_start3A_74, %dma_start3A_75] : memref<10240x128xf32, #tpu.memory_space<vmem_shared>> -> memref<10240x128xf32, #tpu.memory_space<vmem_shared>>
      tpu.enqueue_indirect_dma source(%dma_start3A_70 : memref<80x128xf32, #tpu.memory_space<vmem>>) target(%dma_start3A_76 : memref<10240x128xf32, #tpu.memory_space<vmem_shared>>) offsets(%dma_start3A_73 : memref<80xi32, #tpu.memory_space<vmem>>) semaphore(%arg11 : memref<!tpu.dma_semaphore, #tpu.memory_space<semaphore_mem>>) {add = true}
      %scan3A_77 = arith.constant 0 : i32
      scf.yield %scan3A_77 : i32
    }
    %scan3A_30 = arith.constant 125 : i32
    %dma_wait3A = arith.constant 0 : i32
    %dma_wait3A_31 = arith.constant 124 : i32
    %dma_wait3A_32 = arith.constant 0 : i32
    %dma_wait3A_33 = arith.constant 0 : i32
    %dma_wait3A_34 = tpu.memref_slice %arg8[%dma_wait3A, %dma_wait3A_32, %dma_wait3A_33] : memref<2x80x128xf32, #tpu.memory_space<vmem>> -> memref<1x80x128xf32, #tpu.memory_space<vmem>>
    %dma_wait3A_35 = tpu.memref_squeeze %dma_wait3A_34 : memref<1x80x128xf32, #tpu.memory_space<vmem>> -> memref<80x128xf32, #tpu.memory_space<vmem>>
    %dma_wait3A_36 = arith.constant 0 : i32
    %dma_wait3A_37 = tpu.memref_slice %arg7[%dma_wait3A_31, %dma_wait3A_36] : memref<125x80xi32, #tpu.memory_space<vmem>> -> memref<1x80xi32, #tpu.memory_space<vmem>>
    %dma_wait3A_38 = tpu.memref_squeeze %dma_wait3A_37 : memref<1x80xi32, #tpu.memory_space<vmem>> -> memref<80xi32, #tpu.memory_space<vmem>>
    %dma_wait3A_39 = arith.constant 0 : i32
    %dma_wait3A_40 = arith.constant 0 : i32
    %dma_wait3A_41 = tpu.memref_slice %arg9[%dma_wait3A_39, %dma_wait3A_40] : memref<10240x128xf32, #tpu.memory_space<vmem_shared>> -> memref<10240x128xf32, #tpu.memory_space<vmem_shared>>
    tpu.wait_indirect_dma semaphore(%arg11 : memref<!tpu.dma_semaphore, #tpu.memory_space<semaphore_mem>>) src(%dma_wait3A_35 : memref<80x128xf32, #tpu.memory_space<vmem>>) dst(%dma_wait3A_41 : memref<10240x128xf32, #tpu.memory_space<vmem_shared>>)
    %barrier3A_42 = arith.constant 0 : index
    tpu.barrier barrier_id(%barrier3A_42)
    %mul3A_43 = arith.constant 640 : i32
    %mul3A_44 = arith.muli %arg1, %mul3A_43 : i32
    %mul3A_45 = arith.constant 640 : i32
    %mul3A_46 = arith.muli %arg1, %mul3A_45 : i32
    "tpu.region"() ({
      %run_scoped3A = tpu.sem_alloc : memref<!tpu.dma_semaphore, #tpu.memory_space<semaphore_mem>>
      %dma_start3A_47 = arith.constant 0 : i32
      %dma_start3A_48 = tpu.memref_slice %arg5[%arg0, %mul3A_46, %dma_start3A_47] : memref<2x10240x128xf32, #tpu.memory_space<hbm>> -> memref<1x640x128xf32, #tpu.memory_space<hbm>>
      %dma_start3A_49 = tpu.memref_squeeze %dma_start3A_48 : memref<1x640x128xf32, #tpu.memory_space<hbm>> -> memref<640x128xf32, #tpu.memory_space<hbm>>
      %dma_start3A_50 = arith.constant 0 : i32
      %dma_start3A_51 = tpu.memref_slice %arg9[%mul3A_44, %dma_start3A_50] : memref<10240x128xf32, #tpu.memory_space<vmem_shared>> -> memref<640x128xf32, #tpu.memory_space<vmem_shared>>
      tpu.enqueue_dma source(%dma_start3A_51 : memref<640x128xf32, #tpu.memory_space<vmem_shared>>) target(%dma_start3A_49 : memref<640x128xf32, #tpu.memory_space<hbm>>) target_semaphore(%run_scoped3A : memref<!tpu.dma_semaphore, #tpu.memory_space<semaphore_mem>>)
      %dma_wait3A_52 = arith.constant 0 : i32
      %dma_wait3A_53 = tpu.memref_slice %arg5[%arg0, %mul3A_46, %dma_wait3A_52] : memref<2x10240x128xf32, #tpu.memory_space<hbm>> -> memref<1x640x128xf32, #tpu.memory_space<hbm>>
      %dma_wait3A_54 = tpu.memref_squeeze %dma_wait3A_53 : memref<1x640x128xf32, #tpu.memory_space<hbm>> -> memref<640x128xf32, #tpu.memory_space<hbm>>
      %dma_wait3A_55 = arith.constant 0 : i32
      %dma_wait3A_56 = tpu.memref_slice %arg9[%mul3A_44, %dma_wait3A_55] : memref<10240x128xf32, #tpu.memory_space<vmem_shared>> -> memref<640x128xf32, #tpu.memory_space<vmem_shared>>
      tpu.wait_dma2 semaphore(%run_scoped3A : memref<!tpu.dma_semaphore, #tpu.memory_space<semaphore_mem>>) src(%dma_wait3A_56 : memref<640x128xf32, #tpu.memory_space<vmem_shared>>) dst(%dma_wait3A_54 : memref<640x128xf32, #tpu.memory_space<hbm>>)
      tpu.yield
    }) : () -> ()
    return
  }
}

#map = affine_map<(d0, d1) -> (0, 0)>
#map1 = affine_map<(d0, d1) -> (0, 0, 0)>
module attributes {stable_mosaic.version = 14 : i64} {
  func.func @edge_kernel(%arg0: i32, %arg1: i32, %arg2: memref<10000x128xf32, #tpu.memory_space<hbm>>, %arg3: memref<32x10000xi32, #tpu.memory_space<hbm>>, %arg4: memref<32x125x80xi32, #tpu.memory_space<hbm>>, %arg5: memref<2x10240x128xf32, #tpu.memory_space<hbm>>, %arg6: memref<10000xi32, #tpu.memory_space<vmem>>, %arg7: memref<125x80xi32, #tpu.memory_space<vmem>>, %arg8: memref<2x80x128xf32, #tpu.memory_space<vmem>>, %arg9: memref<10240x128xf32, #tpu.memory_space<vmem_shared>>, %arg10: memref<!tpu.dma_semaphore, #tpu.memory_space<semaphore_mem>>, %arg11: memref<!tpu.dma_semaphore, #tpu.memory_space<semaphore_mem>>) attributes {dimension_semantics = [#tpu.dimension_semantics<core_parallel>, #tpu.dimension_semantics<subcore_parallel>], iteration_bounds = array<i64: 2, 16>, scalar_prefetch = 0 : i64, scratch_operands = 6 : i64, tpu.core_type = #tpu.core_type<sc_vector_subcore>, window_params = [{transform_indices = #map}, {transform_indices = #map}, {transform_indices = #map1}, {transform_indices = #map1}]} {
    %mul3A = arith.constant 16 : i32
    %mul3A_0 = arith.muli %arg0, %mul3A : i32
    %add3A = arith.addi %mul3A_0, %arg1 : i32
    %broadcast_in_dim3A = arith.constant 0.000000e+00 : f32
    %broadcast_in_dim3A_1 = vector.broadcast %broadcast_in_dim3A : f32 to vector<16xf32>
    %scan3A = arith.constant 0 : i32
    %scan3A_2 = arith.constant 0 : i32
    %scan3A_3 = arith.constant 80 : i32
    %scan3A_4 = arith.addi %scan3A_2, %scan3A_3 : i32
    %scan3A_5 = arith.constant 1 : i32
    %scan3A_6 = scf.for %scan3A_47 = %scan3A_2 to %scan3A_4 step %scan3A_5 iter_args(%scan3A_48 = %scan3A) -> (i32)  : i32 {
      %swap3A = arith.constant 0 : i32
      %swap3A_49 = arith.index_cast %swap3A : i32 to index
      %swap3A_50 = arith.index_cast %scan3A_47 : i32 to index
      %swap3A_51 = arith.constant 0 : index
      %swap3A_52 = tpu.vector_load %arg8[%swap3A_49, %swap3A_50, %swap3A_51] {strides = array<i32>} : memref<2x80x128xf32, #tpu.memory_space<vmem>>, vector<1x1x16xf32>,
      %swap3A_53 = vector.shape_cast %swap3A_52 : vector<1x1x16xf32> to vector<16xf32>
      %swap3A_54 = vector.shape_cast %broadcast_in_dim3A_1 : vector<16xf32> to vector<1x1x16xf32>
      tpu.vector_store %arg8[%swap3A_49, %swap3A_50, %swap3A_51], %swap3A_54 {strides = array<i32>} : memref<2x80x128xf32, #tpu.memory_space<vmem>>, vector<1x1x16xf32>,
      %swap3A_55 = arith.constant 0 : i32
      %swap3A_56 = arith.index_cast %swap3A_55 : i32 to index
      %swap3A_57 = arith.index_cast %scan3A_47 : i32 to index
      %swap3A_58 = arith.constant 16 : index
      %swap3A_59 = tpu.vector_load %arg8[%swap3A_56, %swap3A_57, %swap3A_58] {strides = array<i32>} : memref<2x80x128xf32, #tpu.memory_space<vmem>>, vector<1x1x16xf32>,
      %swap3A_60 = vector.shape_cast %swap3A_59 : vector<1x1x16xf32> to vector<16xf32>
      %swap3A_61 = vector.shape_cast %broadcast_in_dim3A_1 : vector<16xf32> to vector<1x1x16xf32>
      tpu.vector_store %arg8[%swap3A_56, %swap3A_57, %swap3A_58], %swap3A_61 {strides = array<i32>} : memref<2x80x128xf32, #tpu.memory_space<vmem>>, vector<1x1x16xf32>,
      %swap3A_62 = arith.constant 0 : i32
      %swap3A_63 = arith.index_cast %swap3A_62 : i32 to index
      %swap3A_64 = arith.index_cast %scan3A_47 : i32 to index
      %swap3A_65 = arith.constant 32 : index
      %swap3A_66 = tpu.vector_load %arg8[%swap3A_63, %swap3A_64, %swap3A_65] {strides = array<i32>} : memref<2x80x128xf32, #tpu.memory_space<vmem>>, vector<1x1x16xf32>,
      %swap3A_67 = vector.shape_cast %swap3A_66 : vector<1x1x16xf32> to vector<16xf32>
      %swap3A_68 = vector.shape_cast %broadcast_in_dim3A_1 : vector<16xf32> to vector<1x1x16xf32>
      tpu.vector_store %arg8[%swap3A_63, %swap3A_64, %swap3A_65], %swap3A_68 {strides = array<i32>} : memref<2x80x128xf32, #tpu.memory_space<vmem>>, vector<1x1x16xf32>,
      %swap3A_69 = arith.constant 0 : i32
      %swap3A_70 = arith.index_cast %swap3A_69 : i32 to index
      %swap3A_71 = arith.index_cast %scan3A_47 : i32 to index
      %swap3A_72 = arith.constant 48 : index
      %swap3A_73 = tpu.vector_load %arg8[%swap3A_70, %swap3A_71, %swap3A_72] {strides = array<i32>} : memref<2x80x128xf32, #tpu.memory_space<vmem>>, vector<1x1x16xf32>,
      %swap3A_74 = vector.shape_cast %swap3A_73 : vector<1x1x16xf32> to vector<16xf32>
      %swap3A_75 = vector.shape_cast %broadcast_in_dim3A_1 : vector<16xf32> to vector<1x1x16xf32>
      tpu.vector_store %arg8[%swap3A_70, %swap3A_71, %swap3A_72], %swap3A_75 {strides = array<i32>} : memref<2x80x128xf32, #tpu.memory_space<vmem>>, vector<1x1x16xf32>,
      %swap3A_76 = arith.constant 0 : i32
      %swap3A_77 = arith.index_cast %swap3A_76 : i32 to index
      %swap3A_78 = arith.index_cast %scan3A_47 : i32 to index
      %swap3A_79 = arith.constant 64 : index
      %swap3A_80 = tpu.vector_load %arg8[%swap3A_77, %swap3A_78, %swap3A_79] {strides = array<i32>} : memref<2x80x128xf32, #tpu.memory_space<vmem>>, vector<1x1x16xf32>,
      %swap3A_81 = vector.shape_cast %swap3A_80 : vector<1x1x16xf32> to vector<16xf32>
      %swap3A_82 = vector.shape_cast %broadcast_in_dim3A_1 : vector<16xf32> to vector<1x1x16xf32>
      tpu.vector_store %arg8[%swap3A_77, %swap3A_78, %swap3A_79], %swap3A_82 {strides = array<i32>} : memref<2x80x128xf32, #tpu.memory_space<vmem>>, vector<1x1x16xf32>,
      %swap3A_83 = arith.constant 0 : i32
      %swap3A_84 = arith.index_cast %swap3A_83 : i32 to index
      %swap3A_85 = arith.index_cast %scan3A_47 : i32 to index
      %swap3A_86 = arith.constant 80 : index
      %swap3A_87 = tpu.vector_load %arg8[%swap3A_84, %swap3A_85, %swap3A_86] {strides = array<i32>} : memref<2x80x128xf32, #tpu.memory_space<vmem>>, vector<1x1x16xf32>,
      %swap3A_88 = vector.shape_cast %swap3A_87 : vector<1x1x16xf32> to vector<16xf32>
      %swap3A_89 = vector.shape_cast %broadcast_in_dim3A_1 : vector<16xf32> to vector<1x1x16xf32>
      tpu.vector_store %arg8[%swap3A_84, %swap3A_85, %swap3A_86], %swap3A_89 {strides = array<i32>} : memref<2x80x128xf32, #tpu.memory_space<vmem>>, vector<1x1x16xf32>,
      %swap3A_90 = arith.constant 0 : i32
      %swap3A_91 = arith.index_cast %swap3A_90 : i32 to index
      %swap3A_92 = arith.index_cast %scan3A_47 : i32 to index
      %swap3A_93 = arith.constant 96 : index
      %swap3A_94 = tpu.vector_load %arg8[%swap3A_91, %swap3A_92, %swap3A_93] {strides = array<i32>} : memref<2x80x128xf32, #tpu.memory_space<vmem>>, vector<1x1x16xf32>,
      %swap3A_95 = vector.shape_cast %swap3A_94 : vector<1x1x16xf32> to vector<16xf32>
      %swap3A_96 = vector.shape_cast %broadcast_in_dim3A_1 : vector<16xf32> to vector<1x1x16xf32>
      tpu.vector_store %arg8[%swap3A_91, %swap3A_92, %swap3A_93], %swap3A_96 {strides = array<i32>} : memref<2x80x128xf32, #tpu.memory_space<vmem>>, vector<1x1x16xf32>,
      %swap3A_97 = arith.constant 0 : i32
      %swap3A_98 = arith.index_cast %swap3A_97 : i32 to index
      %swap3A_99 = arith.index_cast %scan3A_47 : i32 to index
      %swap3A_100 = arith.constant 112 : index
      %swap3A_101 = tpu.vector_load %arg8[%swap3A_98, %swap3A_99, %swap3A_100] {strides = array<i32>} : memref<2x80x128xf32, #tpu.memory_space<vmem>>, vector<1x1x16xf32>,
      %swap3A_102 = vector.shape_cast %swap3A_101 : vector<1x1x16xf32> to vector<16xf32>
      %swap3A_103 = vector.shape_cast %broadcast_in_dim3A_1 : vector<16xf32> to vector<1x1x16xf32>
      tpu.vector_store %arg8[%swap3A_98, %swap3A_99, %swap3A_100], %swap3A_103 {strides = array<i32>} : memref<2x80x128xf32, #tpu.memory_space<vmem>>, vector<1x1x16xf32>,
      %scan3A_104 = arith.constant 0 : i32
      scf.yield %scan3A_104 : i32
    }
    %scan3A_7 = arith.constant 80 : i32
    %scan3A_8 = arith.constant 0 : i32
    %scan3A_9 = arith.constant 0 : i32
    %scan3A_10 = arith.constant 8 : i32
    %scan3A_11 = arith.addi %scan3A_9, %scan3A_10 : i32
    %scan3A_12 = arith.constant 1 : i32
    %scan3A_13 = scf.for %scan3A_47 = %scan3A_9 to %scan3A_11 step %scan3A_12 iter_args(%scan3A_48 = %scan3A_8) -> (i32)  : i32 {
      %mul3A_49 = arith.constant 640 : i32
      %mul3A_50 = arith.muli %arg1, %mul3A_49 : i32
      %mul3A_51 = arith.constant 80 : i32
      %mul3A_52 = arith.muli %scan3A_47, %mul3A_51 : i32
      %add3A_53 = arith.addi %mul3A_50, %mul3A_52 : i32
      %run_scoped3A = arith.constant 0 : i32
      "tpu.region"() ({
        %run_scoped3A_55 = tpu.sem_alloc : memref<!tpu.dma_semaphore, #tpu.memory_space<semaphore_mem>>
        %dma_start3A_56 = arith.constant 0 : i32
        %dma_start3A_57 = arith.constant 0 : i32
        %dma_start3A_58 = tpu.memref_slice %arg8[%run_scoped3A, %dma_start3A_56, %dma_start3A_57] : memref<2x80x128xf32, #tpu.memory_space<vmem>> -> memref<1x80x128xf32, #tpu.memory_space<vmem>>
        %dma_start3A_59 = tpu.memref_squeeze %dma_start3A_58 : memref<1x80x128xf32, #tpu.memory_space<vmem>> -> memref<80x128xf32, #tpu.memory_space<vmem>>
        %dma_start3A_60 = arith.constant 0 : i32
        %dma_start3A_61 = tpu.memref_slice %arg9[%add3A_53, %dma_start3A_60] : memref<10240x128xf32, #tpu.memory_space<vmem_shared>> -> memref<80x128xf32, #tpu.memory_space<vmem_shared>>
        %dma_start3A_62 = arith.constant 0 : i32
        %dma_start3A_63 = tpu.memref_slice %arg9[%add3A_53, %dma_start3A_62] : memref<10240x128xf32, #tpu.memory_space<vmem_shared>> -> memref<80x128xf32, #tpu.memory_space<vmem_shared>>
        %dma_start3A_64 = arith.constant 0 : i32
        %dma_start3A_65 = arith.constant 0 : i32
        %dma_start3A_66 = tpu.memref_slice %arg8[%run_scoped3A, %dma_start3A_64, %dma_start3A_65] : memref<2x80x128xf32, #tpu.memory_space<vmem>> -> memref<1x80x128xf32, #tpu.memory_space<vmem>>
        %dma_start3A_67 = tpu.memref_squeeze %dma_start3A_66 : memref<1x80x128xf32, #tpu.memory_space<vmem>> -> memref<80x128xf32, #tpu.memory_space<vmem>>
        tpu.enqueue_dma source(%dma_start3A_67 : memref<80x128xf32, #tpu.memory_space<vmem>>) target(%dma_start3A_63 : memref<80x128xf32, #tpu.memory_space<vmem_shared>>) target_semaphore(%run_scoped3A_55 : memref<!tpu.dma_semaphore, #tpu.memory_space<semaphore_mem>>)
        %dma_wait3A_68 = arith.constant 0 : i32
        %dma_wait3A_69 = arith.constant 0 : i32
        %dma_wait3A_70 = tpu.memref_slice %arg8[%run_scoped3A, %dma_wait3A_68, %dma_wait3A_69] : memref<2x80x128xf32, #tpu.memory_space<vmem>> -> memref<1x80x128xf32, #tpu.memory_space<vmem>>
        %dma_wait3A_71 = tpu.memref_squeeze %dma_wait3A_70 : memref<1x80x128xf32, #tpu.memory_space<vmem>> -> memref<80x128xf32, #tpu.memory_space<vmem>>
        %dma_wait3A_72 = arith.constant 0 : i32
        %dma_wait3A_73 = tpu.memref_slice %arg9[%add3A_53, %dma_wait3A_72] : memref<10240x128xf32, #tpu.memory_space<vmem_shared>> -> memref<80x128xf32, #tpu.memory_space<vmem_shared>>
        %dma_wait3A_74 = arith.constant 0 : i32
        %dma_wait3A_75 = tpu.memref_slice %arg9[%add3A_53, %dma_wait3A_74] : memref<10240x128xf32, #tpu.memory_space<vmem_shared>> -> memref<80x128xf32, #tpu.memory_space<vmem_shared>>
        %dma_wait3A_76 = arith.constant 0 : i32
        %dma_wait3A_77 = arith.constant 0 : i32
        %dma_wait3A_78 = tpu.memref_slice %arg8[%run_scoped3A, %dma_wait3A_76, %dma_wait3A_77] : memref<2x80x128xf32, #tpu.memory_space<vmem>> -> memref<1x80x128xf32, #tpu.memory_space<vmem>>
        %dma_wait3A_79 = tpu.memref_squeeze %dma_wait3A_78 : memref<1x80x128xf32, #tpu.memory_space<vmem>> -> memref<80x128xf32, #tpu.memory_space<vmem>>
        tpu.wait_dma2 semaphore(%run_scoped3A_55 : memref<!tpu.dma_semaphore, #tpu.memory_space<semaphore_mem>>) src(%dma_wait3A_79 : memref<80x128xf32, #tpu.memory_space<vmem>>) dst(%dma_wait3A_75 : memref<80x128xf32, #tpu.memory_space<vmem_shared>>)
        tpu.yield
      }) : () -> ()
      %scan3A_54 = arith.constant 0 : i32
      scf.yield %scan3A_54 : i32
    }
    %scan3A_14 = arith.constant 8 : i32
    "tpu.region"() ({
      %run_scoped3A = tpu.sem_alloc : memref<!tpu.dma_semaphore, #tpu.memory_space<semaphore_mem>>
      %dma_start3A_47 = arith.constant 0 : i32
      %dma_start3A_48 = tpu.memref_slice %arg3[%add3A, %dma_start3A_47] : memref<32x10000xi32, #tpu.memory_space<hbm>> -> memref<1x10000xi32, #tpu.memory_space<hbm>>
      %dma_start3A_49 = tpu.memref_squeeze %dma_start3A_48 : memref<1x10000xi32, #tpu.memory_space<hbm>> -> memref<10000xi32, #tpu.memory_space<hbm>>
      %dma_start3A_50 = arith.constant 0 : i32
      %dma_start3A_51 = tpu.memref_slice %arg3[%add3A, %dma_start3A_50] : memref<32x10000xi32, #tpu.memory_space<hbm>> -> memref<1x10000xi32, #tpu.memory_space<hbm>>
      %dma_start3A_52 = tpu.memref_squeeze %dma_start3A_51 : memref<1x10000xi32, #tpu.memory_space<hbm>> -> memref<10000xi32, #tpu.memory_space<hbm>>
      tpu.enqueue_dma source(%dma_start3A_52 : memref<10000xi32, #tpu.memory_space<hbm>>) target(%arg6 : memref<10000xi32, #tpu.memory_space<vmem>>) target_semaphore(%run_scoped3A : memref<!tpu.dma_semaphore, #tpu.memory_space<semaphore_mem>>)
      %dma_wait3A_53 = arith.constant 0 : i32
      %dma_wait3A_54 = tpu.memref_slice %arg3[%add3A, %dma_wait3A_53] : memref<32x10000xi32, #tpu.memory_space<hbm>> -> memref<1x10000xi32, #tpu.memory_space<hbm>>
      %dma_wait3A_55 = tpu.memref_squeeze %dma_wait3A_54 : memref<1x10000xi32, #tpu.memory_space<hbm>> -> memref<10000xi32, #tpu.memory_space<hbm>>
      %dma_wait3A_56 = arith.constant 0 : i32
      %dma_wait3A_57 = tpu.memref_slice %arg3[%add3A, %dma_wait3A_56] : memref<32x10000xi32, #tpu.memory_space<hbm>> -> memref<1x10000xi32, #tpu.memory_space<hbm>>
      %dma_wait3A_58 = tpu.memref_squeeze %dma_wait3A_57 : memref<1x10000xi32, #tpu.memory_space<hbm>> -> memref<10000xi32, #tpu.memory_space<hbm>>
      tpu.wait_dma2 semaphore(%run_scoped3A : memref<!tpu.dma_semaphore, #tpu.memory_space<semaphore_mem>>) src(%dma_wait3A_58 : memref<10000xi32, #tpu.memory_space<hbm>>) dst(%arg6 : memref<10000xi32, #tpu.memory_space<vmem>>)
      tpu.yield
    }) : () -> ()
    "tpu.region"() ({
      %run_scoped3A = tpu.sem_alloc : memref<!tpu.dma_semaphore, #tpu.memory_space<semaphore_mem>>
      %dma_start3A_47 = arith.constant 0 : i32
      %dma_start3A_48 = arith.constant 0 : i32
      %dma_start3A_49 = tpu.memref_slice %arg4[%add3A, %dma_start3A_47, %dma_start3A_48] : memref<32x125x80xi32, #tpu.memory_space<hbm>> -> memref<1x125x80xi32, #tpu.memory_space<hbm>>
      %dma_start3A_50 = tpu.memref_squeeze %dma_start3A_49 : memref<1x125x80xi32, #tpu.memory_space<hbm>> -> memref<125x80xi32, #tpu.memory_space<hbm>>
      %dma_start3A_51 = arith.constant 0 : i32
      %dma_start3A_52 = arith.constant 0 : i32
      %dma_start3A_53 = tpu.memref_slice %arg4[%add3A, %dma_start3A_51, %dma_start3A_52] : memref<32x125x80xi32, #tpu.memory_space<hbm>> -> memref<1x125x80xi32, #tpu.memory_space<hbm>>
      %dma_start3A_54 = tpu.memref_squeeze %dma_start3A_53 : memref<1x125x80xi32, #tpu.memory_space<hbm>> -> memref<125x80xi32, #tpu.memory_space<hbm>>
      tpu.enqueue_dma source(%dma_start3A_54 : memref<125x80xi32, #tpu.memory_space<hbm>>) target(%arg7 : memref<125x80xi32, #tpu.memory_space<vmem>>) target_semaphore(%run_scoped3A : memref<!tpu.dma_semaphore, #tpu.memory_space<semaphore_mem>>)
      %dma_wait3A_55 = arith.constant 0 : i32
      %dma_wait3A_56 = arith.constant 0 : i32
      %dma_wait3A_57 = tpu.memref_slice %arg4[%add3A, %dma_wait3A_55, %dma_wait3A_56] : memref<32x125x80xi32, #tpu.memory_space<hbm>> -> memref<1x125x80xi32, #tpu.memory_space<hbm>>
      %dma_wait3A_58 = tpu.memref_squeeze %dma_wait3A_57 : memref<1x125x80xi32, #tpu.memory_space<hbm>> -> memref<125x80xi32, #tpu.memory_space<hbm>>
      %dma_wait3A_59 = arith.constant 0 : i32
      %dma_wait3A_60 = arith.constant 0 : i32
      %dma_wait3A_61 = tpu.memref_slice %arg4[%add3A, %dma_wait3A_59, %dma_wait3A_60] : memref<32x125x80xi32, #tpu.memory_space<hbm>> -> memref<1x125x80xi32, #tpu.memory_space<hbm>>
      %dma_wait3A_62 = tpu.memref_squeeze %dma_wait3A_61 : memref<1x125x80xi32, #tpu.memory_space<hbm>> -> memref<125x80xi32, #tpu.memory_space<hbm>>
      tpu.wait_dma2 semaphore(%run_scoped3A : memref<!tpu.dma_semaphore, #tpu.memory_space<semaphore_mem>>) src(%dma_wait3A_62 : memref<125x80xi32, #tpu.memory_space<hbm>>) dst(%arg7 : memref<125x80xi32, #tpu.memory_space<vmem>>)
      tpu.yield
    }) : () -> ()
    %barrier3A = arith.constant 0 : index
    tpu.barrier barrier_id(%barrier3A)
    %dma_start3A = arith.constant 0 : i32
    %dma_start3A_15 = arith.constant 0 : i32
    %dma_start3A_16 = arith.constant 0 : i32
    %dma_start3A_17 = tpu.memref_slice %arg8[%dma_start3A, %dma_start3A_15, %dma_start3A_16] : memref<2x80x128xf32, #tpu.memory_space<vmem>> -> memref<1x80x128xf32, #tpu.memory_space<vmem>>
    %dma_start3A_18 = tpu.memref_squeeze %dma_start3A_17 : memref<1x80x128xf32, #tpu.memory_space<vmem>> -> memref<80x128xf32, #tpu.memory_space<vmem>>
    %dma_start3A_19 = arith.constant 0 : i32
    %dma_start3A_20 = tpu.memref_slice %arg6[%dma_start3A_19] : memref<10000xi32, #tpu.memory_space<vmem>> -> memref<80xi32, #tpu.memory_space<vmem>>
    %dma_start3A_21 = arith.constant 0 : i32
    %dma_start3A_22 = arith.constant 0 : i32
    %dma_start3A_23 = tpu.memref_slice %arg2[%dma_start3A_21, %dma_start3A_22] : memref<10000x128xf32, #tpu.memory_space<hbm>> -> memref<10000x128xf32, #tpu.memory_space<hbm>>
    tpu.enqueue_indirect_dma source(%dma_start3A_23 : memref<10000x128xf32, #tpu.memory_space<hbm>>) target(%dma_start3A_18 : memref<80x128xf32, #tpu.memory_space<vmem>>) offsets(%dma_start3A_20 : memref<80xi32, #tpu.memory_space<vmem>>) semaphore(%arg10 : memref<!tpu.dma_semaphore, #tpu.memory_space<semaphore_mem>>)
    %scan3A_24 = arith.constant 0 : i32
    %scan3A_25 = arith.constant 0 : i32
    %scan3A_26 = arith.constant 125 : i32
    %scan3A_27 = arith.addi %scan3A_25, %scan3A_26 : i32
    %scan3A_28 = arith.constant 1 : i32
    %scan3A_29 = scf.for %scan3A_47 = %scan3A_25 to %scan3A_27 step %scan3A_28 iter_args(%scan3A_48 = %scan3A_24) -> (i32)  : i32 {
      %rem3A = arith.constant 2 : i32
      %rem3A_49 = arith.remsi %scan3A_47, %rem3A : i32
      %sub3A = arith.constant 1 : i32
      %sub3A_50 = arith.subi %sub3A, %rem3A_49 : i32
      %mul3A_51 = arith.constant 80 : i32
      %mul3A_52 = arith.muli %scan3A_47, %mul3A_51 : i32
      %dma_wait3A_53 = arith.constant 0 : i32
      %dma_wait3A_54 = arith.constant 0 : i32
      %dma_wait3A_55 = tpu.memref_slice %arg8[%rem3A_49, %dma_wait3A_53, %dma_wait3A_54] : memref<2x80x128xf32, #tpu.memory_space<vmem>> -> memref<1x80x128xf32, #tpu.memory_space<vmem>>
      %dma_wait3A_56 = tpu.memref_squeeze %dma_wait3A_55 : memref<1x80x128xf32, #tpu.memory_space<vmem>> -> memref<80x128xf32, #tpu.memory_space<vmem>>
      %dma_wait3A_57 = tpu.memref_slice %arg6[%mul3A_52] : memref<10000xi32, #tpu.memory_space<vmem>> -> memref<80xi32, #tpu.memory_space<vmem>>
      %dma_wait3A_58 = arith.constant 0 : i32
      %dma_wait3A_59 = arith.constant 0 : i32
      %dma_wait3A_60 = tpu.memref_slice %arg2[%dma_wait3A_58, %dma_wait3A_59] : memref<10000x128xf32, #tpu.memory_space<hbm>> -> memref<10000x128xf32, #tpu.memory_space<hbm>>
      tpu.wait_indirect_dma semaphore(%arg10 : memref<!tpu.dma_semaphore, #tpu.memory_space<semaphore_mem>>) src(%dma_wait3A_60 : memref<10000x128xf32, #tpu.memory_space<hbm>>) dst(%dma_wait3A_56 : memref<80x128xf32, #tpu.memory_space<vmem>>)
      %gt3A = arith.constant 0 : i32
      %gt3A_61 = arith.cmpi sgt, %scan3A_47, %gt3A : i32
      %convert_element_type3A = arith.extui %gt3A_61 : i1 to i32
      %cond3A = arith.constant 0 : i32
      %cond3A_62 = arith.cmpi ne, %convert_element_type3A, %cond3A : i32
      scf.if %cond3A_62 {
        %sub3A_78 = arith.constant 1 : i32
        %sub3A_79 = arith.subi %scan3A_47, %sub3A_78 : i32
        %dma_wait3A_80 = arith.constant 0 : i32
        %dma_wait3A_81 = arith.constant 0 : i32
        %dma_wait3A_82 = tpu.memref_slice %arg8[%sub3A_50, %dma_wait3A_80, %dma_wait3A_81] : memref<2x80x128xf32, #tpu.memory_space<vmem>> -> memref<1x80x128xf32, #tpu.memory_space<vmem>>
        %dma_wait3A_83 = tpu.memref_squeeze %dma_wait3A_82 : memref<1x80x128xf32, #tpu.memory_space<vmem>> -> memref<80x128xf32, #tpu.memory_space<vmem>>
        %dma_wait3A_84 = arith.constant 0 : i32
        %dma_wait3A_85 = tpu.memref_slice %arg7[%sub3A_79, %dma_wait3A_84] : memref<125x80xi32, #tpu.memory_space<vmem>> -> memref<1x80xi32, #tpu.memory_space<vmem>>
        %dma_wait3A_86 = tpu.memref_squeeze %dma_wait3A_85 : memref<1x80xi32, #tpu.memory_space<vmem>> -> memref<80xi32, #tpu.memory_space<vmem>>
        %dma_wait3A_87 = arith.constant 0 : i32
        %dma_wait3A_88 = arith.constant 0 : i32
        %dma_wait3A_89 = tpu.memref_slice %arg9[%dma_wait3A_87, %dma_wait3A_88] : memref<10240x128xf32, #tpu.memory_space<vmem_shared>> -> memref<10240x128xf32, #tpu.memory_space<vmem_shared>>
        tpu.wait_indirect_dma semaphore(%arg11 : memref<!tpu.dma_semaphore, #tpu.memory_space<semaphore_mem>>) src(%dma_wait3A_83 : memref<80x128xf32, #tpu.memory_space<vmem>>) dst(%dma_wait3A_89 : memref<10240x128xf32, #tpu.memory_space<vmem_shared>>)
      } else {
      }
      %lt3A = arith.constant 124 : i32
      %lt3A_63 = arith.cmpi slt, %scan3A_47, %lt3A : i32
      %convert_element_type3A_64 = arith.extui %lt3A_63 : i1 to i32
      %cond3A_65 = arith.constant 0 : i32
      %cond3A_66 = arith.cmpi ne, %convert_element_type3A_64, %cond3A_65 : i32
      scf.if %cond3A_66 {
        %add3A_78 = arith.constant 1 : i32
        %add3A_79 = arith.addi %scan3A_47, %add3A_78 : i32
        %mul3A_80 = arith.constant 80 : i32
        %mul3A_81 = arith.muli %add3A_79, %mul3A_80 : i32
        %dma_start3A_82 = arith.constant 0 : i32
        %dma_start3A_83 = arith.constant 0 : i32
        %dma_start3A_84 = tpu.memref_slice %arg8[%sub3A_50, %dma_start3A_82, %dma_start3A_83] : memref<2x80x128xf32, #tpu.memory_space<vmem>> -> memref<1x80x128xf32, #tpu.memory_space<vmem>>
        %dma_start3A_85 = tpu.memref_squeeze %dma_start3A_84 : memref<1x80x128xf32, #tpu.memory_space<vmem>> -> memref<80x128xf32, #tpu.memory_space<vmem>>
        %dma_start3A_86 = tpu.memref_slice %arg6[%mul3A_81] : memref<10000xi32, #tpu.memory_space<vmem>> -> memref<80xi32, #tpu.memory_space<vmem>>
        %dma_start3A_87 = arith.constant 0 : i32
        %dma_start3A_88 = arith.constant 0 : i32
        %dma_start3A_89 = tpu.memref_slice %arg2[%dma_start3A_87, %dma_start3A_88] : memref<10000x128xf32, #tpu.memory_space<hbm>> -> memref<10000x128xf32, #tpu.memory_space<hbm>>
        tpu.enqueue_indirect_dma source(%dma_start3A_89 : memref<10000x128xf32, #tpu.memory_space<hbm>>) target(%dma_start3A_85 : memref<80x128xf32, #tpu.memory_space<vmem>>) offsets(%dma_start3A_86 : memref<80xi32, #tpu.memory_space<vmem>>) semaphore(%arg10 : memref<!tpu.dma_semaphore, #tpu.memory_space<semaphore_mem>>)
      } else {
      }
      %dma_start3A_67 = arith.constant 0 : i32
      %dma_start3A_68 = arith.constant 0 : i32
      %dma_start3A_69 = tpu.memref_slice %arg8[%rem3A_49, %dma_start3A_67, %dma_start3A_68] : memref<2x80x128xf32, #tpu.memory_space<vmem>> -> memref<1x80x128xf32, #tpu.memory_space<vmem>>
      %dma_start3A_70 = tpu.memref_squeeze %dma_start3A_69 : memref<1x80x128xf32, #tpu.memory_space<vmem>> -> memref<80x128xf32, #tpu.memory_space<vmem>>
      %dma_start3A_71 = arith.constant 0 : i32
      %dma_start3A_72 = tpu.memref_slice %arg7[%scan3A_47, %dma_start3A_71] : memref<125x80xi32, #tpu.memory_space<vmem>> -> memref<1x80xi32, #tpu.memory_space<vmem>>
      %dma_start3A_73 = tpu.memref_squeeze %dma_start3A_72 : memref<1x80xi32, #tpu.memory_space<vmem>> -> memref<80xi32, #tpu.memory_space<vmem>>
      %dma_start3A_74 = arith.constant 0 : i32
      %dma_start3A_75 = arith.constant 0 : i32
      %dma_start3A_76 = tpu.memref_slice %arg9[%dma_start3A_74, %dma_start3A_75] : memref<10240x128xf32, #tpu.memory_space<vmem_shared>> -> memref<10240x128xf32, #tpu.memory_space<vmem_shared>>
      tpu.enqueue_indirect_dma source(%dma_start3A_70 : memref<80x128xf32, #tpu.memory_space<vmem>>) target(%dma_start3A_76 : memref<10240x128xf32, #tpu.memory_space<vmem_shared>>) offsets(%dma_start3A_73 : memref<80xi32, #tpu.memory_space<vmem>>) semaphore(%arg11 : memref<!tpu.dma_semaphore, #tpu.memory_space<semaphore_mem>>) {add = true}
      %scan3A_77 = arith.constant 0 : i32
      scf.yield %scan3A_77 : i32
    }
    %scan3A_30 = arith.constant 125 : i32
    %dma_wait3A = arith.constant 0 : i32
    %dma_wait3A_31 = arith.constant 124 : i32
    %dma_wait3A_32 = arith.constant 0 : i32
    %dma_wait3A_33 = arith.constant 0 : i32
    %dma_wait3A_34 = tpu.memref_slice %arg8[%dma_wait3A, %dma_wait3A_32, %dma_wait3A_33] : memref<2x80x128xf32, #tpu.memory_space<vmem>> -> memref<1x80x128xf32, #tpu.memory_space<vmem>>
    %dma_wait3A_35 = tpu.memref_squeeze %dma_wait3A_34 : memref<1x80x128xf32, #tpu.memory_space<vmem>> -> memref<80x128xf32, #tpu.memory_space<vmem>>
    %dma_wait3A_36 = arith.constant 0 : i32
    %dma_wait3A_37 = tpu.memref_slice %arg7[%dma_wait3A_31, %dma_wait3A_36] : memref<125x80xi32, #tpu.memory_space<vmem>> -> memref<1x80xi32, #tpu.memory_space<vmem>>
    %dma_wait3A_38 = tpu.memref_squeeze %dma_wait3A_37 : memref<1x80xi32, #tpu.memory_space<vmem>> -> memref<80xi32, #tpu.memory_space<vmem>>
    %dma_wait3A_39 = arith.constant 0 : i32
    %dma_wait3A_40 = arith.constant 0 : i32
    %dma_wait3A_41 = tpu.memref_slice %arg9[%dma_wait3A_39, %dma_wait3A_40] : memref<10240x128xf32, #tpu.memory_space<vmem_shared>> -> memref<10240x128xf32, #tpu.memory_space<vmem_shared>>
    tpu.wait_indirect_dma semaphore(%arg11 : memref<!tpu.dma_semaphore, #tpu.memory_space<semaphore_mem>>) src(%dma_wait3A_35 : memref<80x128xf32, #tpu.memory_space<vmem>>) dst(%dma_wait3A_41 : memref<10240x128xf32, #tpu.memory_space<vmem_shared>>)
    %barrier3A_42 = arith.constant 0 : index
    tpu.barrier barrier_id(%barrier3A_42)
    %mul3A_43 = arith.constant 640 : i32
    %mul3A_44 = arith.muli %arg1, %mul3A_43 : i32
    %mul3A_45 = arith.constant 640 : i32
    %mul3A_46 = arith.muli %arg1, %mul3A_45 : i32
    "tpu.region"() ({
      %run_scoped3A = tpu.sem_alloc : memref<!tpu.dma_semaphore, #tpu.memory_space<semaphore_mem>>
      %dma_start3A_47 = arith.constant 0 : i32
      %dma_start3A_48 = tpu.memref_slice %arg5[%arg0, %mul3A_46, %dma_start3A_47] : memref<2x10240x128xf32, #tpu.memory_space<hbm>> -> memref<1x640x128xf32, #tpu.memory_space<hbm>>
      %dma_start3A_49 = tpu.memref_squeeze %dma_start3A_48 : memref<1x640x128xf32, #tpu.memory_space<hbm>> -> memref<640x128xf32, #tpu.memory_space<hbm>>
      %dma_start3A_50 = arith.constant 0 : i32
      %dma_start3A_51 = tpu.memref_slice %arg9[%mul3A_44, %dma_start3A_50] : memref<10240x128xf32, #tpu.memory_space<vmem_shared>> -> memref<640x128xf32, #tpu.memory_space<vmem_shared>>
      tpu.enqueue_dma source(%dma_start3A_51 : memref<640x128xf32, #tpu.memory_space<vmem_shared>>) target(%dma_start3A_49 : memref<640x128xf32, #tpu.memory_space<hbm>>) target_semaphore(%run_scoped3A : memref<!tpu.dma_semaphore, #tpu.memory_space<semaphore_mem>>)
      %dma_wait3A_52 = arith.constant 0 : i32
      %dma_wait3A_53 = tpu.memref_slice %arg5[%arg0, %mul3A_46, %dma_wait3A_52] : memref<2x10240x128xf32, #tpu.memory_space<hbm>> -> memref<1x640x128xf32, #tpu.memory_space<hbm>>
      %dma_wait3A_54 = tpu.memref_squeeze %dma_wait3A_53 : memref<1x640x128xf32, #tpu.memory_space<hbm>> -> memref<640x128xf32, #tpu.memory_space<hbm>>
      %dma_wait3A_55 = arith.constant 0 : i32
      %dma_wait3A_56 = tpu.memref_slice %arg9[%mul3A_44, %dma_wait3A_55] : memref<10240x128xf32, #tpu.memory_space<vmem_shared>> -> memref<640x128xf32, #tpu.memory_space<vmem_shared>>
      tpu.wait_dma2 semaphore(%run_scoped3A : memref<!tpu.dma_semaphore, #tpu.memory_space<semaphore_mem>>) src(%dma_wait3A_56 : memref<640x128xf32, #tpu.memory_space<vmem_shared>>) dst(%dma_wait3A_54 : memref<640x128xf32, #tpu.memory_space<hbm>>)
      tpu.yield
    }) : () -> ()
    return
  }
}

module attributes {stable_mosaic.version = 14 : i64} {
  func.func @body(%arg0: memref<2x10240xf32, #tpu.memory_space<vmem>>, %arg1: memref<10000x128xf32, #tpu.memory_space<vmem>>, %arg2: memref<128x128xf32, #tpu.memory_space<vmem>>, %arg3: memref<10000x128xf32, #tpu.memory_space<vmem>>) attributes {dimension_semantics = [], scalar_prefetch = 0 : i64, scratch_operands = 0 : i64, tpu.core_type = #tpu.core_type<tc>} {
    %get3A = arith.constant 0 : index
    %get3A_0 = arith.constant 0 : index
    %get3A_1 = vector.load %arg0[%get3A, %get3A_0] : memref<2x10240xf32, #tpu.memory_space<vmem>>, vector<2x10240xf32>
    %slice3A = vector.extract_strided_slice %get3A_1 {offsets = [0, 0], sizes = [1, 10000], strides = [1, 1]} : vector<2x10240xf32> to vector<1x10000xf32>
    %squeeze3A = vector.shape_cast %slice3A : vector<1x10000xf32> to vector<10000xf32>
    %slice3A_2 = vector.extract_strided_slice %get3A_1 {offsets = [1, 0], sizes = [1, 10000], strides = [1, 1]} : vector<2x10240xf32> to vector<1x10000xf32>
    %squeeze3A_3 = vector.shape_cast %slice3A_2 : vector<1x10000xf32> to vector<10000xf32>
    %add3A = arith.addf %squeeze3A, %squeeze3A_3 : vector<10000xf32>
    %add3A_4 = arith.constant 1.000000e+00 : f32
    %add3A_5 = vector.broadcast %add3A_4 : f32 to vector<10000xf32>
    %add3A_6 = arith.addf %add3A, %add3A_5 : vector<10000xf32>
    %rsqrt3A = math.rsqrt %add3A_6 : vector<10000xf32>
    %get3A_7 = arith.constant 0 : index
    %get3A_8 = arith.constant 0 : index
    %get3A_9 = vector.load %arg1[%get3A_7, %get3A_8] : memref<10000x128xf32, #tpu.memory_space<vmem>>, vector<10000x128xf32>
    %get3A_10 = arith.constant 0 : index
    %get3A_11 = arith.constant 0 : index
    %get3A_12 = vector.load %arg2[%get3A_10, %get3A_11] : memref<128x128xf32, #tpu.memory_space<vmem>>, vector<128x128xf32>
    %dot_general3A = arith.constant dense<0.000000e+00> : vector<10000x128xf32>
    %dot_general3A_13 = tpu.matmul %get3A_9, %get3A_12, %dot_general3A {dimension_numbers = #tpu.dot_dimension_numbers<[1], [0], [0], [1], [0, 0, 1, 1], [], []>, transpose_lhs_hint = false} : vector<10000x128xf32>, vector<128x128xf32>, vector<10000x128xf32> -> vector<10000x128xf32>
    %broadcast_in_dim3A = vector.shape_cast %rsqrt3A : vector<10000xf32> to vector<10000x1xf32>
    %mul3A = vector.broadcast %broadcast_in_dim3A : vector<10000x1xf32> to vector<10000x128xf32>
    %mul3A_14 = arith.mulf %dot_general3A_13, %mul3A : vector<10000x128xf32>
    %swap3A = arith.constant 0 : index
    %swap3A_15 = arith.constant 0 : index
    %swap3A_16 = vector.load %arg3[%swap3A, %swap3A_15] : memref<10000x128xf32, #tpu.memory_space<vmem>>, vector<10000x128xf32>
    tpu.vector_store %arg3[%swap3A, %swap3A_15], %mul3A_14 {strides = array<i32>} : memref<10000x128xf32, #tpu.memory_space<vmem>>, vector<10000x128xf32>,
    return
  }
}

module attributes {stable_mosaic.version = 14 : i64} {
  func.func @body(%arg0: memref<2x10240x128xf32, #tpu.memory_space<vmem>>, %arg1: memref<10000x128xf32, #tpu.memory_space<vmem>>, %arg2: memref<2x10240xf32, #tpu.memory_space<vmem>>, %arg3: memref<128xf32, #tpu.memory_space<vmem>>, %arg4: memref<128xf32, #tpu.memory_space<vmem>>, %arg5: memref<128xf32, #tpu.memory_space<vmem>>, %arg6: memref<128x128xf32, #tpu.memory_space<vmem>>, %arg7: memref<10000x128xf32, #tpu.memory_space<vmem>>) attributes {dimension_semantics = [], scalar_prefetch = 0 : i64, scratch_operands = 0 : i64, tpu.core_type = #tpu.core_type<tc>} {
    %get3A = arith.constant 0 : index
    %get3A_0 = arith.constant 0 : index
    %get3A_1 = vector.load %arg2[%get3A, %get3A_0] : memref<2x10240xf32, #tpu.memory_space<vmem>>, vector<2x10240xf32>
    %slice3A = vector.extract_strided_slice %get3A_1 {offsets = [0, 0], sizes = [1, 10000], strides = [1, 1]} : vector<2x10240xf32> to vector<1x10000xf32>
    %squeeze3A = vector.shape_cast %slice3A : vector<1x10000xf32> to vector<10000xf32>
    %slice3A_2 = vector.extract_strided_slice %get3A_1 {offsets = [1, 0], sizes = [1, 10000], strides = [1, 1]} : vector<2x10240xf32> to vector<1x10000xf32>
    %squeeze3A_3 = vector.shape_cast %slice3A_2 : vector<1x10000xf32> to vector<10000xf32>
    %add3A = arith.addf %squeeze3A, %squeeze3A_3 : vector<10000xf32>
    %add3A_4 = arith.constant 1.000000e+00 : f32
    %add3A_5 = vector.broadcast %add3A_4 : f32 to vector<10000xf32>
    %add3A_6 = arith.addf %add3A, %add3A_5 : vector<10000xf32>
    %rsqrt3A = math.rsqrt %add3A_6 : vector<10000xf32>
    %get3A_7 = arith.constant 0 : index
    %get3A_8 = arith.constant 0 : index
    %get3A_9 = arith.constant 0 : index
    %get3A_10 = vector.load %arg0[%get3A_7, %get3A_8, %get3A_9] : memref<2x10240x128xf32, #tpu.memory_space<vmem>>, vector<1x10000x128xf32>
    %get3A_11 = vector.shape_cast %get3A_10 : vector<1x10000x128xf32> to vector<10000x128xf32>
    %get3A_12 = arith.constant 1 : index
    %get3A_13 = arith.constant 0 : index
    %get3A_14 = arith.constant 0 : index
    %get3A_15 = vector.load %arg0[%get3A_12, %get3A_13, %get3A_14] : memref<2x10240x128xf32, #tpu.memory_space<vmem>>, vector<1x10000x128xf32>
    %get3A_16 = vector.shape_cast %get3A_15 : vector<1x10000x128xf32> to vector<10000x128xf32>
    %add3A_17 = arith.addf %get3A_11, %get3A_16 : vector<10000x128xf32>
    %broadcast_in_dim3A = vector.shape_cast %rsqrt3A : vector<10000xf32> to vector<10000x1xf32>
    %get3A_18 = arith.constant 0 : index
    %get3A_19 = arith.constant 0 : index
    %get3A_20 = vector.load %arg1[%get3A_18, %get3A_19] : memref<10000x128xf32, #tpu.memory_space<vmem>>, vector<10000x128xf32>
    %add3A_21 = arith.addf %add3A_17, %get3A_20 : vector<10000x128xf32>
    %mul3A = vector.broadcast %broadcast_in_dim3A : vector<10000x1xf32> to vector<10000x128xf32>
    %mul3A_22 = arith.mulf %mul3A, %add3A_21 : vector<10000x128xf32>
    %get3A_23 = arith.constant 0 : index
    %get3A_24 = vector.load %arg3[%get3A_23] : memref<128xf32, #tpu.memory_space<vmem>>, vector<128xf32>
    %broadcast_in_dim3A_25 = vector.shape_cast %get3A_24 : vector<128xf32> to vector<1x128xf32>
    %add3A_26 = vector.broadcast %broadcast_in_dim3A_25 : vector<1x128xf32> to vector<10000x128xf32>
    %add3A_27 = arith.addf %mul3A_22, %add3A_26 : vector<10000x128xf32>
    %get3A_28 = arith.constant 0 : index
    %get3A_29 = vector.load %arg4[%get3A_28] : memref<128xf32, #tpu.memory_space<vmem>>, vector<128xf32>
    %get3A_30 = arith.constant 0 : index
    %get3A_31 = vector.load %arg5[%get3A_30] : memref<128xf32, #tpu.memory_space<vmem>>, vector<128xf32>
    %reduce_sum3A = arith.constant dense<0.000000e+00> : vector<128xf32>
    %reduce_sum3A_32 = vector.multi_reduction <add>, %add3A_27, %reduce_sum3A [0] : vector<10000x128xf32> to vector<128xf32>
    %div3A = arith.constant 1.000000e+04 : f32
    %div3A_33 = vector.broadcast %div3A : f32 to vector<128xf32>
    %div3A_34 = arith.divf %reduce_sum3A_32, %div3A_33 : vector<128xf32>
    %broadcast_in_dim3A_35 = vector.shape_cast %div3A_34 : vector<128xf32> to vector<1x128xf32>
    %sub3A = vector.broadcast %broadcast_in_dim3A_35 : vector<1x128xf32> to vector<10000x128xf32>
    %sub3A_36 = arith.subf %add3A_27, %sub3A : vector<10000x128xf32>
    %integer_pow3A = arith.mulf %sub3A_36, %sub3A_36 : vector<10000x128xf32>
    %reduce_sum3A_37 = arith.constant dense<0.000000e+00> : vector<128xf32>
    %reduce_sum3A_38 = vector.multi_reduction <add>, %integer_pow3A, %reduce_sum3A_37 [0] : vector<10000x128xf32> to vector<128xf32>
    %div3A_39 = arith.constant 1.000000e+04 : f32
    %div3A_40 = vector.broadcast %div3A_39 : f32 to vector<128xf32>
    %div3A_41 = arith.divf %reduce_sum3A_38, %div3A_40 : vector<128xf32>
    %broadcast_in_dim3A_42 = vector.shape_cast %div3A_34 : vector<128xf32> to vector<1x128xf32>
    %sub3A_43 = vector.broadcast %broadcast_in_dim3A_42 : vector<1x128xf32> to vector<10000x128xf32>
    %sub3A_44 = arith.subf %add3A_27, %sub3A_43 : vector<10000x128xf32>
    %add3A_45 = arith.constant 9.99999974E-6 : f32
    %add3A_46 = vector.broadcast %add3A_45 : f32 to vector<128xf32>
    %add3A_47 = arith.addf %div3A_41, %add3A_46 : vector<128xf32>
    %sqrt3A = math.sqrt %add3A_47 : vector<128xf32>
    %broadcast_in_dim3A_48 = vector.shape_cast %sqrt3A : vector<128xf32> to vector<1x128xf32>
    %div3A_49 = vector.broadcast %broadcast_in_dim3A_48 : vector<1x128xf32> to vector<10000x128xf32>
    %div3A_50 = arith.divf %sub3A_44, %div3A_49 : vector<10000x128xf32>
    %broadcast_in_dim3A_51 = vector.shape_cast %get3A_29 : vector<128xf32> to vector<1x128xf32>
    %mul3A_52 = vector.broadcast %broadcast_in_dim3A_51 : vector<1x128xf32> to vector<10000x128xf32>
    %mul3A_53 = arith.mulf %div3A_50, %mul3A_52 : vector<10000x128xf32>
    %broadcast_in_dim3A_54 = vector.shape_cast %get3A_31 : vector<128xf32> to vector<1x128xf32>
    %add3A_55 = vector.broadcast %broadcast_in_dim3A_54 : vector<1x128xf32> to vector<10000x128xf32>
    %add3A_56 = arith.addf %mul3A_53, %add3A_55 : vector<10000x128xf32>
    %max3A = arith.constant 0.000000e+00 : f32
    %max3A_57 = vector.broadcast %max3A : f32 to vector<10000x128xf32>
    %max3A_58 = arith.maximumf %add3A_56, %max3A_57 : vector<10000x128xf32>
    %get3A_59 = arith.constant 0 : index
    %get3A_60 = arith.constant 0 : index
    %get3A_61 = vector.load %arg6[%get3A_59, %get3A_60] : memref<128x128xf32, #tpu.memory_space<vmem>>, vector<128x128xf32>
    %dot_general3A = arith.constant dense<0.000000e+00> : vector<10000x128xf32>
    %dot_general3A_62 = tpu.matmul %max3A_58, %get3A_61, %dot_general3A {dimension_numbers = #tpu.dot_dimension_numbers<[1], [0], [0], [1], [0, 0, 1, 1], [], []>, transpose_lhs_hint = false} : vector<10000x128xf32>, vector<128x128xf32>, vector<10000x128xf32> -> vector<10000x128xf32>
    %broadcast_in_dim3A_63 = vector.shape_cast %rsqrt3A : vector<10000xf32> to vector<10000x1xf32>
    %mul3A_64 = vector.broadcast %broadcast_in_dim3A_63 : vector<10000x1xf32> to vector<10000x128xf32>
    %mul3A_65 = arith.mulf %dot_general3A_62, %mul3A_64 : vector<10000x128xf32>
    %swap3A = arith.constant 0 : index
    %swap3A_66 = arith.constant 0 : index
    %swap3A_67 = vector.load %arg7[%swap3A, %swap3A_66] : memref<10000x128xf32, #tpu.memory_space<vmem>>, vector<10000x128xf32>
    tpu.vector_store %arg7[%swap3A, %swap3A_66], %mul3A_65 {strides = array<i32>} : memref<10000x128xf32, #tpu.memory_space<vmem>>, vector<10000x128xf32>,
    return
  }
}

module attributes {stable_mosaic.version = 14 : i64} {
  func.func @body(%arg0: memref<2x10240x128xf32, #tpu.memory_space<vmem>>, %arg1: memref<10000x128xf32, #tpu.memory_space<vmem>>, %arg2: memref<2x10240xf32, #tpu.memory_space<vmem>>, %arg3: memref<128xf32, #tpu.memory_space<vmem>>, %arg4: memref<128xf32, #tpu.memory_space<vmem>>, %arg5: memref<128xf32, #tpu.memory_space<vmem>>, %arg6: memref<1x10000xi32, #tpu.memory_space<vmem>>, %arg7: memref<128x64xf32, #tpu.memory_space<vmem>>, %arg8: memref<64xf32, #tpu.memory_space<vmem>>, %arg9: memref<64xf32, #tpu.memory_space<vmem>>, %arg10: memref<64xf32, #tpu.memory_space<vmem>>, %arg11: memref<64x1xf32, #tpu.memory_space<vmem>>, %arg12: memref<1xf32, #tpu.memory_space<vmem>>, %arg13: memref<1xf32, #tpu.memory_space<vmem>>, %arg14: memref<1xf32, #tpu.memory_space<vmem>>, %arg15: memref<64x1xf32, #tpu.memory_space<vmem>>) attributes {dimension_semantics = [], scalar_prefetch = 0 : i64, scratch_operands = 0 : i64, tpu.core_type = #tpu.core_type<tc>} {
    %get3A = arith.constant 0 : index
    %get3A_0 = arith.constant 0 : index
    %get3A_1 = vector.load %arg2[%get3A, %get3A_0] : memref<2x10240xf32, #tpu.memory_space<vmem>>, vector<2x10240xf32>
    %slice3A = vector.extract_strided_slice %get3A_1 {offsets = [0, 0], sizes = [1, 10000], strides = [1, 1]} : vector<2x10240xf32> to vector<1x10000xf32>
    %squeeze3A = vector.shape_cast %slice3A : vector<1x10000xf32> to vector<10000xf32>
    %slice3A_2 = vector.extract_strided_slice %get3A_1 {offsets = [1, 0], sizes = [1, 10000], strides = [1, 1]} : vector<2x10240xf32> to vector<1x10000xf32>
    %squeeze3A_3 = vector.shape_cast %slice3A_2 : vector<1x10000xf32> to vector<10000xf32>
    %add3A = arith.addf %squeeze3A, %squeeze3A_3 : vector<10000xf32>
    %add3A_4 = arith.constant 1.000000e+00 : f32
    %add3A_5 = vector.broadcast %add3A_4 : f32 to vector<10000xf32>
    %add3A_6 = arith.addf %add3A, %add3A_5 : vector<10000xf32>
    %rsqrt3A = math.rsqrt %add3A_6 : vector<10000xf32>
    %get3A_7 = arith.constant 0 : index
    %get3A_8 = arith.constant 0 : index
    %get3A_9 = arith.constant 0 : index
    %get3A_10 = vector.load %arg0[%get3A_7, %get3A_8, %get3A_9] : memref<2x10240x128xf32, #tpu.memory_space<vmem>>, vector<1x10000x128xf32>
    %get3A_11 = vector.shape_cast %get3A_10 : vector<1x10000x128xf32> to vector<10000x128xf32>
    %get3A_12 = arith.constant 1 : index
    %get3A_13 = arith.constant 0 : index
    %get3A_14 = arith.constant 0 : index
    %get3A_15 = vector.load %arg0[%get3A_12, %get3A_13, %get3A_14] : memref<2x10240x128xf32, #tpu.memory_space<vmem>>, vector<1x10000x128xf32>
    %get3A_16 = vector.shape_cast %get3A_15 : vector<1x10000x128xf32> to vector<10000x128xf32>
    %add3A_17 = arith.addf %get3A_11, %get3A_16 : vector<10000x128xf32>
    %broadcast_in_dim3A = vector.shape_cast %rsqrt3A : vector<10000xf32> to vector<10000x1xf32>
    %get3A_18 = arith.constant 0 : index
    %get3A_19 = arith.constant 0 : index
    %get3A_20 = vector.load %arg1[%get3A_18, %get3A_19] : memref<10000x128xf32, #tpu.memory_space<vmem>>, vector<10000x128xf32>
    %add3A_21 = arith.addf %add3A_17, %get3A_20 : vector<10000x128xf32>
    %mul3A = vector.broadcast %broadcast_in_dim3A : vector<10000x1xf32> to vector<10000x128xf32>
    %mul3A_22 = arith.mulf %mul3A, %add3A_21 : vector<10000x128xf32>
    %get3A_23 = arith.constant 0 : index
    %get3A_24 = vector.load %arg3[%get3A_23] : memref<128xf32, #tpu.memory_space<vmem>>, vector<128xf32>
    %broadcast_in_dim3A_25 = vector.shape_cast %get3A_24 : vector<128xf32> to vector<1x128xf32>
    %add3A_26 = vector.broadcast %broadcast_in_dim3A_25 : vector<1x128xf32> to vector<10000x128xf32>
    %add3A_27 = arith.addf %mul3A_22, %add3A_26 : vector<10000x128xf32>
    %get3A_28 = arith.constant 0 : index
    %get3A_29 = vector.load %arg4[%get3A_28] : memref<128xf32, #tpu.memory_space<vmem>>, vector<128xf32>
    %get3A_30 = arith.constant 0 : index
    %get3A_31 = vector.load %arg5[%get3A_30] : memref<128xf32, #tpu.memory_space<vmem>>, vector<128xf32>
    %reduce_sum3A = arith.constant dense<0.000000e+00> : vector<128xf32>
    %reduce_sum3A_32 = vector.multi_reduction <add>, %add3A_27, %reduce_sum3A [0] : vector<10000x128xf32> to vector<128xf32>
    %div3A = arith.constant 1.000000e+04 : f32
    %div3A_33 = vector.broadcast %div3A : f32 to vector<128xf32>
    %div3A_34 = arith.divf %reduce_sum3A_32, %div3A_33 : vector<128xf32>
    %broadcast_in_dim3A_35 = vector.shape_cast %div3A_34 : vector<128xf32> to vector<1x128xf32>
    %sub3A = vector.broadcast %broadcast_in_dim3A_35 : vector<1x128xf32> to vector<10000x128xf32>
    %sub3A_36 = arith.subf %add3A_27, %sub3A : vector<10000x128xf32>
    %integer_pow3A = arith.mulf %sub3A_36, %sub3A_36 : vector<10000x128xf32>
    %reduce_sum3A_37 = arith.constant dense<0.000000e+00> : vector<128xf32>
    %reduce_sum3A_38 = vector.multi_reduction <add>, %integer_pow3A, %reduce_sum3A_37 [0] : vector<10000x128xf32> to vector<128xf32>
    %div3A_39 = arith.constant 1.000000e+04 : f32
    %div3A_40 = vector.broadcast %div3A_39 : f32 to vector<128xf32>
    %div3A_41 = arith.divf %reduce_sum3A_38, %div3A_40 : vector<128xf32>
    %broadcast_in_dim3A_42 = vector.shape_cast %div3A_34 : vector<128xf32> to vector<1x128xf32>
    %sub3A_43 = vector.broadcast %broadcast_in_dim3A_42 : vector<1x128xf32> to vector<10000x128xf32>
    %sub3A_44 = arith.subf %add3A_27, %sub3A_43 : vector<10000x128xf32>
    %add3A_45 = arith.constant 9.99999974E-6 : f32
    %add3A_46 = vector.broadcast %add3A_45 : f32 to vector<128xf32>
    %add3A_47 = arith.addf %div3A_41, %add3A_46 : vector<128xf32>
    %sqrt3A = math.sqrt %add3A_47 : vector<128xf32>
    %broadcast_in_dim3A_48 = vector.shape_cast %sqrt3A : vector<128xf32> to vector<1x128xf32>
    %div3A_49 = vector.broadcast %broadcast_in_dim3A_48 : vector<1x128xf32> to vector<10000x128xf32>
    %div3A_50 = arith.divf %sub3A_44, %div3A_49 : vector<10000x128xf32>
    %broadcast_in_dim3A_51 = vector.shape_cast %get3A_29 : vector<128xf32> to vector<1x128xf32>
    %mul3A_52 = vector.broadcast %broadcast_in_dim3A_51 : vector<1x128xf32> to vector<10000x128xf32>
    %mul3A_53 = arith.mulf %div3A_50, %mul3A_52 : vector<10000x128xf32>
    %broadcast_in_dim3A_54 = vector.shape_cast %get3A_31 : vector<128xf32> to vector<1x128xf32>
    %add3A_55 = vector.broadcast %broadcast_in_dim3A_54 : vector<1x128xf32> to vector<10000x128xf32>
    %add3A_56 = arith.addf %mul3A_53, %add3A_55 : vector<10000x128xf32>
    %max3A = arith.constant 0.000000e+00 : f32
    %max3A_57 = vector.broadcast %max3A : f32 to vector<10000x128xf32>
    %max3A_58 = arith.maximumf %add3A_56, %max3A_57 : vector<10000x128xf32>
    %iota3A = tpu.iota {dimensions = array<i32: 0>} : vector<64x10000xi32>
    %get3A_59 = arith.constant 0 : index
    %get3A_60 = arith.constant 0 : index
    %get3A_61 = vector.load %arg6[%get3A_59, %get3A_60] : memref<1x10000xi32, #tpu.memory_space<vmem>>, vector<1x10000xi32>
    %eq3A = vector.broadcast %get3A_61 : vector<1x10000xi32> to vector<64x10000xi32>
    %eq3A_62 = arith.cmpi eq, %iota3A, %eq3A : vector<64x10000xi32>
    %convert_element_type3A = arith.extui %eq3A_62 : vector<64x10000xi1> to vector<64x10000xi32>
    %convert_element_type3A_63 = arith.sitofp %convert_element_type3A : vector<64x10000xi32> to vector<64x10000xf32>
    %reduce_sum3A_64 = arith.constant dense<0.000000e+00> : vector<64xf32>
    %reduce_sum3A_65 = vector.multi_reduction <add>, %convert_element_type3A_63, %reduce_sum3A_64 [1] : vector<64x10000xf32> to vector<64xf32>
    %dot_general3A = arith.constant dense<0.000000e+00> : vector<64x128xf32>
    %dot_general3A_66 = tpu.matmul %convert_element_type3A_63, %max3A_58, %dot_general3A {dimension_numbers = #tpu.dot_dimension_numbers<[1], [0], [0], [1], [0, 0, 1, 1], [], []>, precision = #tpu.contract_precision<fp32>, transpose_lhs_hint = false} : vector<64x10000xf32>, vector<10000x128xf32>, vector<64x128xf32> -> vector<64x128xf32>
    %max3A_67 = arith.constant 1.000000e+00 : f32
    %max3A_68 = vector.broadcast %max3A_67 : f32 to vector<64xf32>
    %max3A_69 = arith.maximumf %reduce_sum3A_65, %max3A_68 : vector<64xf32>
    %broadcast_in_dim3A_70 = vector.shape_cast %max3A_69 : vector<64xf32> to vector<64x1xf32>
    %div3A_71 = vector.broadcast %broadcast_in_dim3A_70 : vector<64x1xf32> to vector<64x128xf32>
    %div3A_72 = arith.divf %dot_general3A_66, %div3A_71 : vector<64x128xf32>
    %get3A_73 = arith.constant 0 : index
    %get3A_74 = arith.constant 0 : index
    %get3A_75 = vector.load %arg7[%get3A_73, %get3A_74] : memref<128x64xf32, #tpu.memory_space<vmem>>, vector<128x64xf32>
    %dot_general3A_76 = arith.constant dense<0.000000e+00> : vector<64x64xf32>
    %dot_general3A_77 = tpu.matmul %div3A_72, %get3A_75, %dot_general3A_76 {dimension_numbers = #tpu.dot_dimension_numbers<[1], [0], [0], [1], [0, 0, 1, 1], [], []>, transpose_lhs_hint = false} : vector<64x128xf32>, vector<128x64xf32>, vector<64x64xf32> -> vector<64x64xf32>
    %get3A_78 = arith.constant 0 : index
    %get3A_79 = vector.load %arg8[%get3A_78] : memref<64xf32, #tpu.memory_space<vmem>>, vector<64xf32>
    %broadcast_in_dim3A_80 = vector.shape_cast %get3A_79 : vector<64xf32> to vector<1x64xf32>
    %add3A_81 = vector.broadcast %broadcast_in_dim3A_80 : vector<1x64xf32> to vector<64x64xf32>
    %add3A_82 = arith.addf %dot_general3A_77, %add3A_81 : vector<64x64xf32>
    %get3A_83 = arith.constant 0 : index
    %get3A_84 = vector.load %arg9[%get3A_83] : memref<64xf32, #tpu.memory_space<vmem>>, vector<64xf32>
    %get3A_85 = arith.constant 0 : index
    %get3A_86 = vector.load %arg10[%get3A_85] : memref<64xf32, #tpu.memory_space<vmem>>, vector<64xf32>
    %reduce_sum3A_87 = arith.constant dense<0.000000e+00> : vector<64xf32>
    %reduce_sum3A_88 = vector.multi_reduction <add>, %add3A_82, %reduce_sum3A_87 [0] : vector<64x64xf32> to vector<64xf32>
    %div3A_89 = arith.constant 6.400000e+01 : f32
    %div3A_90 = vector.broadcast %div3A_89 : f32 to vector<64xf32>
    %div3A_91 = arith.divf %reduce_sum3A_88, %div3A_90 : vector<64xf32>
    %broadcast_in_dim3A_92 = vector.shape_cast %div3A_91 : vector<64xf32> to vector<1x64xf32>
    %sub3A_93 = vector.broadcast %broadcast_in_dim3A_92 : vector<1x64xf32> to vector<64x64xf32>
    %sub3A_94 = arith.subf %add3A_82, %sub3A_93 : vector<64x64xf32>
    %integer_pow3A_95 = arith.mulf %sub3A_94, %sub3A_94 : vector<64x64xf32>
    %reduce_sum3A_96 = arith.constant dense<0.000000e+00> : vector<64xf32>
    %reduce_sum3A_97 = vector.multi_reduction <add>, %integer_pow3A_95, %reduce_sum3A_96 [0] : vector<64x64xf32> to vector<64xf32>
    %div3A_98 = arith.constant 6.400000e+01 : f32
    %div3A_99 = vector.broadcast %div3A_98 : f32 to vector<64xf32>
    %div3A_100 = arith.divf %reduce_sum3A_97, %div3A_99 : vector<64xf32>
    %broadcast_in_dim3A_101 = vector.shape_cast %div3A_91 : vector<64xf32> to vector<1x64xf32>
    %sub3A_102 = vector.broadcast %broadcast_in_dim3A_101 : vector<1x64xf32> to vector<64x64xf32>
    %sub3A_103 = arith.subf %add3A_82, %sub3A_102 : vector<64x64xf32>
    %add3A_104 = arith.constant 9.99999974E-6 : f32
    %add3A_105 = vector.broadcast %add3A_104 : f32 to vector<64xf32>
    %add3A_106 = arith.addf %div3A_100, %add3A_105 : vector<64xf32>
    %sqrt3A_107 = math.sqrt %add3A_106 : vector<64xf32>
    %broadcast_in_dim3A_108 = vector.shape_cast %sqrt3A_107 : vector<64xf32> to vector<1x64xf32>
    %div3A_109 = vector.broadcast %broadcast_in_dim3A_108 : vector<1x64xf32> to vector<64x64xf32>
    %div3A_110 = arith.divf %sub3A_103, %div3A_109 : vector<64x64xf32>
    %broadcast_in_dim3A_111 = vector.shape_cast %get3A_84 : vector<64xf32> to vector<1x64xf32>
    %mul3A_112 = vector.broadcast %broadcast_in_dim3A_111 : vector<1x64xf32> to vector<64x64xf32>
    %mul3A_113 = arith.mulf %div3A_110, %mul3A_112 : vector<64x64xf32>
    %broadcast_in_dim3A_114 = vector.shape_cast %get3A_86 : vector<64xf32> to vector<1x64xf32>
    %add3A_115 = vector.broadcast %broadcast_in_dim3A_114 : vector<1x64xf32> to vector<64x64xf32>
    %add3A_116 = arith.addf %mul3A_113, %add3A_115 : vector<64x64xf32>
    %max3A_117 = arith.constant 0.000000e+00 : f32
    %max3A_118 = vector.broadcast %max3A_117 : f32 to vector<64x64xf32>
    %max3A_119 = arith.maximumf %add3A_116, %max3A_118 : vector<64x64xf32>
    %get3A_120 = arith.constant 0 : index
    %get3A_121 = arith.constant 0 : index
    %get3A_122 = vector.load %arg11[%get3A_120, %get3A_121] : memref<64x1xf32, #tpu.memory_space<vmem>>, vector<64x1xf32>
    %dot_general3A_123 = arith.constant dense<0.000000e+00> : vector<64x1xf32>
    %dot_general3A_124 = tpu.matmul %max3A_119, %get3A_122, %dot_general3A_123 {dimension_numbers = #tpu.dot_dimension_numbers<[1], [0], [0], [1], [0, 0, 1, 1], [], []>, transpose_lhs_hint = false} : vector<64x64xf32>, vector<64x1xf32>, vector<64x1xf32> -> vector<64x1xf32>
    %get3A_125 = arith.constant 0 : index
    %get3A_126 = vector.load %arg12[%get3A_125] : memref<1xf32, #tpu.memory_space<vmem>>, vector<1xf32>
    %broadcast_in_dim3A_127 = vector.shape_cast %get3A_126 : vector<1xf32> to vector<1x1xf32>
    %add3A_128 = vector.broadcast %broadcast_in_dim3A_127 : vector<1x1xf32> to vector<64x1xf32>
    %add3A_129 = arith.addf %dot_general3A_124, %add3A_128 : vector<64x1xf32>
    %get3A_130 = arith.constant 0 : index
    %get3A_131 = vector.load %arg13[%get3A_130] : memref<1xf32, #tpu.memory_space<vmem>>, vector<1xf32>
    %get3A_132 = arith.constant 0 : index
    %get3A_133 = vector.load %arg14[%get3A_132] : memref<1xf32, #tpu.memory_space<vmem>>, vector<1xf32>
    %reduce_sum3A_134 = arith.constant dense<0.000000e+00> : vector<1xf32>
    %reduce_sum3A_135 = vector.multi_reduction <add>, %add3A_129, %reduce_sum3A_134 [0] : vector<64x1xf32> to vector<1xf32>
    %div3A_136 = arith.constant 6.400000e+01 : f32
    %div3A_137 = vector.broadcast %div3A_136 : f32 to vector<1xf32>
    %div3A_138 = arith.divf %reduce_sum3A_135, %div3A_137 : vector<1xf32>
    %broadcast_in_dim3A_139 = vector.shape_cast %div3A_138 : vector<1xf32> to vector<1x1xf32>
    %sub3A_140 = vector.broadcast %broadcast_in_dim3A_139 : vector<1x1xf32> to vector<64x1xf32>
    %sub3A_141 = arith.subf %add3A_129, %sub3A_140 : vector<64x1xf32>
    %integer_pow3A_142 = arith.mulf %sub3A_141, %sub3A_141 : vector<64x1xf32>
    %reduce_sum3A_143 = arith.constant dense<0.000000e+00> : vector<1xf32>
    %reduce_sum3A_144 = vector.multi_reduction <add>, %integer_pow3A_142, %reduce_sum3A_143 [0] : vector<64x1xf32> to vector<1xf32>
    %div3A_145 = arith.constant 6.400000e+01 : f32
    %div3A_146 = vector.broadcast %div3A_145 : f32 to vector<1xf32>
    %div3A_147 = arith.divf %reduce_sum3A_144, %div3A_146 : vector<1xf32>
    %broadcast_in_dim3A_148 = vector.shape_cast %div3A_138 : vector<1xf32> to vector<1x1xf32>
    %sub3A_149 = vector.broadcast %broadcast_in_dim3A_148 : vector<1x1xf32> to vector<64x1xf32>
    %sub3A_150 = arith.subf %add3A_129, %sub3A_149 : vector<64x1xf32>
    %add3A_151 = arith.constant 9.99999974E-6 : f32
    %add3A_152 = vector.broadcast %add3A_151 : f32 to vector<1xf32>
    %add3A_153 = arith.addf %div3A_147, %add3A_152 : vector<1xf32>
    %sqrt3A_154 = math.sqrt %add3A_153 : vector<1xf32>
    %broadcast_in_dim3A_155 = vector.shape_cast %sqrt3A_154 : vector<1xf32> to vector<1x1xf32>
    %div3A_156 = vector.broadcast %broadcast_in_dim3A_155 : vector<1x1xf32> to vector<64x1xf32>
    %div3A_157 = arith.divf %sub3A_150, %div3A_156 : vector<64x1xf32>
    %broadcast_in_dim3A_158 = vector.shape_cast %get3A_131 : vector<1xf32> to vector<1x1xf32>
    %mul3A_159 = vector.broadcast %broadcast_in_dim3A_158 : vector<1x1xf32> to vector<64x1xf32>
    %mul3A_160 = arith.mulf %div3A_157, %mul3A_159 : vector<64x1xf32>
    %broadcast_in_dim3A_161 = vector.shape_cast %get3A_133 : vector<1xf32> to vector<1x1xf32>
    %add3A_162 = vector.broadcast %broadcast_in_dim3A_161 : vector<1x1xf32> to vector<64x1xf32>
    %add3A_163 = arith.addf %mul3A_160, %add3A_162 : vector<64x1xf32>
    %swap3A = arith.constant 0 : index
    %swap3A_164 = arith.constant 0 : index
    %swap3A_165 = vector.load %arg15[%swap3A, %swap3A_164] : memref<64x1xf32, #tpu.memory_space<vmem>>, vector<64x1xf32>
    tpu.vector_store %arg15[%swap3A, %swap3A_164], %add3A_163 {strides = array<i32>} : memref<64x1xf32, #tpu.memory_space<vmem>>, vector<64x1xf32>,
    return
  }
}

</mosaic_0001>

<sc_bundles>
// kernel: kernel.11.cloned.1.call-start
scs
__scs_entry_jumppad:
0x0: {  	(pc) =	sbr.rel $0x88, $3  }
0x1: {  	(tag) =	ssettag $0x0;
	lr =	simm.s32 $0x1  }
0x2: {  	[smem:$0x3F8E] =	sst lr;
	_ =	strace $0xD0000000  }
0x3: {  	_ = 	snop  }
0x4: {  	_ = 	snop  }
0x5: {  	_ = 	snop  }
0x6: {  	_ = 	snop  }
0x7: {  	_ = 	snop  }
__scs_overlays_trampoline_lowered:
0x8: {  	[smem:$0x3F9D] =	sst s0  }
0x9: {  	[smem:$0x3F9E] =	sst s1  }
0xa: {  	[smem:$0x3F9F] =	sst s2  }
0xb: {  	[smem:$0x3FA0] =	sst s3  }
0xc: {  	[smem:$0x3FA1] =	sst s4  }
0xd: {  	[smem:$0x3FA2] =	sst s5  }
0xe: {  	[smem:$0x3FA3] =	sst s6  }
0xf: {  	[smem:$0x3FA4] =	sst s7  }
0x10: {  	[smem:$0x3FA5] =	sst s8  }
0x11: {  	[smem:$0x3FA6] =	sst s9;
	s0 =	simm.s32 @!p0 $0x0  }
0x12: {  	s1 =	sld [smem:$0x3F8C];
	s0 =	simm.s32 @p0 $0x1  }
0x13: {  	[smem:$0x3FA7] =	sst s0;
	s0 =	simm.s32 @!p1 $0x0  }
0x14: {  	s2 =	sld [smem:$0x3F8B];
	s0 =	simm.s32 @p1 $0x1  }
0x15: {  	[smem:$0x3FA8] =	sst s0;
	s0 =	simm.s32 @!p2 $0x0  }
0x16: {  	s3 =	sld [smem:$0x3FDB];
	s0 =	simm.s32 @p2 $0x1  }
0x17: {  	s4 =	simm.s32 $0x1BF5;
	[smem:$0x3FAA] =	sst s0  }
0x18: {  	s0 =	sld [smem:$0x3F8D];
	_ =	swait.ge [sflag:s4], $0x0  }
0x19: {  	s7 =	sld [smem:$0x3F8E]  }
0x1a: {  	s8 =	sadd.s32 $0xFFFFE003, lr  }
0x1b: {  	s9 =	sadd.s32 $0xFFFFFEF7, lr;
	s5 =	simm.s32 $0xFFFFFFFF;
	p2 =	slt.u32 s8, $0xFFFFF086  }
0x1c: {  	p1 =	slt.u32 s9, $0xF7A;
	s5 =	simm.s32 @!p2 $0x0  }
0x1d: {  	s5 =	simm.s32 @p1 $0x1;
	p0 =	seq.s32 s7, s2  }
0x1e: {  	s7 =	smul.u32 @!p0 $0xF7A, s2;
	p2 =	seq.s32 @!p0 s5, $0x0  }
0x1f: {  	s9 =	smul.u32 $0xF7A, s1;
	s8 =	simm.s32 @!p0 $0x1BF5;
	p2 =	por !p2, p0  }
0x20: {  	[sflag:s8] =	ssyncset.s32 @!p0 $0xFFFFF086;
	s6 =	sadd.s32 @!p0 s3, s7;
	s7 =	simm.s32 @!p0 $0x108  }
0x21: {  	s3 =	sadd.s32 s3, s9;
	s6 =	sadd.s32 @!p0 $0x88, s6;
	s7 =	simm.s32 @p2 $0x1082  }
0x22: {  	[simem:s7], [sflag:s8] =	dma.local @!p0 [hbm:s6], $0xF7A  }
0x23: {  	s9 =	sor.u32 $0xD0000000, s2;
	s6 =	simm.s32 $0x108;
	_ =	swait.ge @!p0 [sflag:s8], $0x0  }
0x24: {  	s3 =	sadd.s32 $0x88, s3;
	s6 =	simm.s32 @!p1 $0x1082;
	[sflag:s4] =	ssyncset.s32 $0xFFFFF086  }
0x25: {  	[simem:s6], [sflag:s4] =	dma.local [hbm:s3], $0xF7A  }
0x26: {  	[smem:$0x3F8E] =	sst s1;
	(tag) =	ssettag s2;
	_ =	strace s9  }
0x27: {  	s1 =	sld [smem:$0x3F9E]  }
0x28: {  	s2 =	sld [smem:$0x3F9F]  }
0x29: {  	s4 =	sld [smem:$0x3FA1]  }
0x2a: {  	p0 =	seq.s32 s5, $0x0;
	s5 =	sld [smem:$0x3FA2]  }
0x2b: {  	s6 =	sld [smem:$0x3FA3]  }
0x2c: {  	s7 =	sld [smem:$0x3FA4]  }
0x2d: {  	s3 =	simm.s32 $0x108;
	s8 =	sld [smem:$0x3FA5]  }
0x2e: {  	s3 =	simm.s32 @!p0 $0x1082;
	s9 =	sld [smem:$0x3FA6]  }
0x2f: {  	lr =	sadd.s32 s0, s3;
	s0 =	sld [smem:$0x3F9D]  }
0x30: {  	s3 =	sld [smem:$0x3FA0]  }
0x31: {  	[smem:$0x3FA9] =	sst s10  }
0x32: {  	s10 =	sld [smem:$0x3FA7];
	_ =	sdelay $0x3  }
0x33: {  	p0 =	seq.s32 s10, $0x1;
	s10 =	sld [smem:$0x3FA9];
	_ =	sdelay $0x3  }
0x34: {  	[smem:$0x3FA9] =	sst s10  }
0x35: {  	s10 =	sld [smem:$0x3FA8];
	_ =	sdelay $0x3  }
0x36: {  	p1 =	seq.s32 s10, $0x1;
	s10 =	sld [smem:$0x3FA9];
	_ =	sdelay $0x3  }
0x37: {  	[smem:$0x3FA9] =	sst s10  }
0x38: {  	s10 =	sld [smem:$0x3FAA]  }
0x39: {  	_ = 	snop;
	(pc) =	sbr.ind lr, $3  }
0x3a: {  	_ = 	snop  }
0x3b: {  	_ = 	snop  }
0x3c: {  	p2 =	seq.s32 s10, $0x1;
	s10 =	sld [smem:$0x3FA9]  }
0x3d: {  	_ =	shalt  }
0x3e: {  	_ =	shalt  }
0x3f: {  	_ =	shalt  }
0x40: {  	_ =	shalt  }
0x41: {  	_ =	shalt  }
0x42: {  	_ =	shalt  }
0x43: {  	_ =	shalt  }
0x44: {  	_ =	shalt  }
0x45: {  	_ =	shalt  }
0x46: {  	_ =	shalt  }
0x47: {  	_ =	shalt  }
0x48: {  	_ =	shalt  }
0x49: {  	_ =	shalt  }
0x4a: {  	_ =	shalt  }
0x4b: {  	_ =	shalt  }
0x4c: {  	_ =	shalt  }
0x4d: {  	_ =	shalt  }
0x4e: {  	_ =	shalt  }
0x4f: {  	_ =	shalt  }
0x50: {  	_ =	shalt  }
0x51: {  	_ =	shalt  }
0x52: {  	_ =	shalt  }
0x53: {  	_ =	shalt  }
0x54: {  	_ =	shalt  }
0x55: {  	_ =	shalt  }
0x56: {  	_ =	shalt  }
0x57: {  	_ =	shalt  }
0x58: {  	_ =	shalt  }
0x59: {  	_ =	shalt  }
0x5a: {  	_ =	shalt  }
0x5b: {  	_ =	shalt  }
0x5c: {  	_ =	shalt  }
0x5d: {  	_ =	shalt  }
0x5e: {  	_ =	shalt  }
0x5f: {  	_ =	shalt  }
0x60: {  	_ =	shalt  }
0x61: {  	_ =	shalt  }
0x62: {  	_ =	shalt  }
0x63: {  	_ =	shalt  }
0x64: {  	_ =	shalt  }
0x65: {  	_ =	shalt  }
0x66: {  	_ =	shalt  }
0x67: {  	_ =	shalt  }
0x68: {  	_ =	shalt  }
0x69: {  	_ =	shalt  }
0x6a: {  	_ =	shalt  }
0x6b: {  	_ =	shalt  }
0x6c: {  	_ =	shalt  }
0x6d: {  	_ =	shalt  }
0x6e: {  	_ =	shalt  }
0x6f: {  	_ =	shalt  }
0x70: {  	_ =	shalt  }
0x71: {  	_ =	shalt  }
0x72: {  	_ =	shalt  }
0x73: {  	_ =	shalt  }
0x74: {  	_ =	shalt  }
0x75: {  	_ =	shalt  }
0x76: {  	_ =	shalt  }
0x77: {  	_ =	shalt  }
0x78: {  	_ =	shalt  }
0x79: {  	_ =	shalt  }
0x7a: {  	_ =	shalt  }
0x7b: {  	_ =	shalt  }
0x7c: {  	_ =	shalt  }
0x7d: {  	_ =	shalt  }
0x7e: {  	_ =	shalt  }
0x7f: {  	_ =	shalt  }
0x80: {  	_ =	shalt  }
0x81: {  	_ =	shalt  }
0x82: {  	_ =	shalt  }
0x83: {  	_ =	shalt  }
0x84: {  	_ =	shalt  }
0x85: {  	_ =	shalt  }
0x86: {  	_ =	shalt  }
0x87: {  	_ =	shalt  }
.Lfunc_end0:
.L_simem_size_0:
called_computation.1_lowered:
.L_overlay_start_0:
0x88: {  	s2 =	sld [smem:$0x3FD9]  }
0x89: {  	s3 =	sld [smem:$0x3FFE];
	_ =	sdelay $0x1  }
0x8a: {  	s1 =	srdreg.scid  }
0x8b: {  	s0 =	sand.u32 $0x1, s1  }
0x8c: {  	s16 =	sshll.u32 s0, $0xA;
	s2 =	sadd.s32 s3, s2  }
0x8d: {  	s2 =	sadd.s32 s2, s16  }
0x8e: {  	[smem:$0x3FB5] =	sst s2  }
0x8f: {  	_ = 	snop  }
0x90: {  	(tm) =	ssettm $0x1  }
0x91: {  	s17 =	sld [smem:$0x3FFB];
	_ =	sdelay $0x3  }
0x92: {  	_ =	strace s17  }
0x93: {  	s2 =	sld [smem:$0x3FFC];
	_ =	sdelay $0x3  }
0x94: {  	_ =	strace s2  }
0x95: {  	s2 =	sld [smem:$0x3FFD];
	_ =	sdelay $0x3  }
0x96: {  	_ =	strace s2  }
0x97: {  	_ =	strace $0x8FFFFFFF  }
0x98: {  	s18 =	sld [smem:$0x3FDB];
	_ =	sdelay $0x1  }
0x99: {  	s19 =	simm.s32 $_scs_section_size  }
0x9a: {  	s4 =	simm.s32 $_size__tile_overlayer_lowered;
	s5 =	simm.s32 $_tile_overlayer_lowered  }
0x9b: {  	s22 =	simm.s32 $0x1BFF;
	s21 =	sshll.u32 s5, $0x1;
	s2 =	sadd.s32 s19, s18  }
0x9c: {  	s6 =	simm.s32 $0x0;
	s20 =	sshll.u32 s4, $0x1;
	s4 =	sadd.s32 s21, s2  }
0x9d: {  	[timem:s6], [sflag:s22] =	dma.local [hbm:s4], s20  }
0x9e: {  	_ =	swait.ge [sflag:s22], s20  }
0x9f: {  	s3 =	ssub.s32 $0x0, s20;
	[sflag:s22] =	ssyncset.done $0x0  }
0xa0: {  	[sflag:s22] =	ssyncadd.s32 s3;
	_ =	sdelay $0x1  }
0xa1: {  	s23 =	simm.s32 $0x1B8B  }
0xa2: {  	_ =	swait.ge [sflag:s23], $0x1  }
0xa3: {  	[sflag:s23] =	ssyncset.done $0x0  }
0xa4: {  	s25 =	simm.s32 $0x1B8E;
	s24 =	sld [smem:$0x3FFE];
	[sflag:s23] =	ssyncadd.s32 $0xFFFFFFFF  }
0xa5: {  	s26 =	simm.s32 $execute0_lowered;
	[smem:$0x3FD2] =	sst s25  }
0xa6: {  	s4 =	sshll.u32 s26, $0x1;
	_ =	strace $0x80000049;
	[dreg:$0x1] =	wrdreg $0xFFFFFFFF  }
0xa7: {  	s28 =	simm.s32 $_size_execute0_lowered;
	s2 =	sadd.s32 s2, s4;
	[dreg:$0x0] =	wrdreg $0x0  }
0xa8: {  	s4 =	sshll.u32 s28, $0x1;
	[dreg:$0x2] =	wrdreg s2  }
0xa9: {  	[dreg:$0x3] =	wrdreg s4  }
0xaa: {  	[dreg:$0x4] =	wrdreg $0xC0  }
0xab: {  	_ =	task [dreg:s6], $0x5FFFF  }
0xac: {  	[dreg:$0x1] =	wrdreg $0xFFFFFFFF  }
0xad: {  	[dreg:$0x0] =	wrdreg $0x60  }
0xae: {  	[dreg:$0x2] =	wrdreg s24  }
0xaf: {  	[dreg:$0x3] =	wrdreg $0xB7800  }
0xb0: {  	[dreg:$0x4] =	wrdreg $0x9  }
0xb1: {  	_ =	task.clear_ibuf [dreg:s6], $0x5FFFF;
	_ =	strace $0x90000049  }
0xb2: {  	s29 =	simm.s32 $0x9;
	_ =	strace $0x8000004B  }
0xb3: {  	_ =	swait.ge [sflag:s29], $0x1  }
0xb4: {  	[sflag:s29] =	ssyncadd.s32 $0xFFFFFFFF  }
0xb5: {  	_ =	strace $0x9000004B  }
0xb6: {  	_ =	sfence  }
0xb7: {  	s30 =	sld [smem:$0x0];
	_ =	sdelay $0x2  }
0xb8: {  	s31 =	sshll.u32 s1, $0xD;
	s1 =	sshrl.u32 s1, $0x2  }
0xb9: {  	s3 =	sand.u32 $0x4000, s31;
	s1 =	sadd.s32 s1, s30  }
0xba: {  	s0 =	sor.u32 s3, s0;
	s1 =	sshll.u32 s1, $0x11  }
0xbb: {  	s0 =	sor.u32 s1, s0  }
0xbc: {  	s0 =	sadd.s32 $0x8F2B, s0  }
0xbd: {  	[sflag:s0] =	ssyncadd.remote.s32 $0x1  }
0xbe: {  	_ =	sfence.sel $0xFFFF  }
0xbf: {  	[dreg:$0x0] =	wrdreg $0xFFFFFFFF;
	(pc) =	sbr.abs _section_cstart, $3  }
0xc0: {  	[dreg:$0x1] =	wrdreg $0xFFFFFFFF  }
0xc1: {  	_ =	task.clear_ibuf [dreg:s6], $0x2FFFF;
	_ =	strace $0x9FFFFFFF  }
0xc2: {  	(tm) =	ssettm $0x7FFFFFFF  }
0xc3: {  	_ =	shalt  }
tec
execute0_lowered:
.L_overlay_start_1:
0x0: {  	(tag) =	ssettag $0x1  }
0x1: {  	s0 =	srdreg.scid  }
0x2: {  	s9 =	stileid.u32;
	s5 =	rddreg [dreg:$0x0]  }
0x3: {  	s2 =	rddreg [dreg:$0x1];
	s17 =	simm.s32 $0x6780;
	s18 =	simm.s32 $0x3  }
0x4: {  	s20 =	simm.s32 $0x400;
	s21 =	simm.s32 $0x2780;
	s22 =	simm.s32 $0x50  }
0x5: {  	s23 =	simm.s32 $0x1;
	s24 =	simm.s32 $0x2;
	s25 =	simm.s32 $0x6580  }
0x6: {  	s26 =	simm.s32 $0x0;
	s0 =	sand.u32 $0x1, s0;
	s8 =	smul.u32 $0x14000, s9  }
0x7: {  	s6 =	sshll.u32 s9, $0x7;
	s30 =	smul.u32 $0x50000, s9;
	s1 =	sshll.u32 s0, $0x4  }
0x8: {  	s7 =	smul.u32 $0x140000, s0;
	s0 =	ssub.s32 $0x2, s0;
	s1 =	sor.u32 s9, s1  }
0x9: {  	s6 =	sand.u32 $0x380, s6;
	s31 =	sshrl.u32 s0, $0x1;
	s3 =	sshrl.u32 s1, $0x3  }
0xa: {  	s1 =	sshll.u32 s1, $0xB;
	s7 =	sadd.s32 s8, s7;
	s0 =	ssub.s32 s0, s31  }
0xb: {  	s8 =	sshrl.u32 s30, $0x2;
	s4 =	smul.u32 $0x13C00, s3;
	s3 =	simm.s32 $0x0  }
0xc: {  	s7 =	sshrl.u32 s7, $0x3;
	s1 =	sadd.s32 s1, s5;
	s8 =	sadd.s32 s8, s2  }
0xd: {  	s9 =	smax.u32 s0, $0x1;
	[smem:$0x7FF] =	sst s3;
	s7 =	sadd.s32 s7, s5  }
0xe: {  	s10 =	sadd.s32 $0x2800, s8;
	s11 =	sadd.s32 $0x5000, s8;
	s12 =	sadd.s32 $0x7800, s8  }
0xf: {  	s13 =	sadd.s32 $0xA000, s8;
	s14 =	sadd.s32 $0xC800, s8;
	s6 =	sor.u32 s6, s4  }
0x10: {  	s15 =	sadd.s32 $0xF000, s8;
	s16 =	sadd.s32 $0x11800, s8;
	s6 =	sshrl.u32 s6, $0x3  }
0x11: {  	_ =	strace $0x8000004A;
	s4 =	sadd.s32 $0x1DE00, s5;
	s6 =	sadd.s32 s6, s5  }
0x12: {  	v0 =	vimm.f32 $0.0e+00;
	s7 =	sadd.s32 $0x45000, s7;
	s5 =	sadd.s32 $0x14000, s6;
	s6 =	sadd.s32 $0x3600, s1  }
.LBB2_1:
0x13: {  	s28 =	simm.s32 $0x0;
	s1 =	simm.s32 $0x200  }
.LBB2_2:
0x14: {  	p0 =	sne.s32 s1, $0x9E00;
	[tilespmem:s28+$0x67F0] =	vst v0  }
0x15: {  	[tilespmem:s28+$0x6780] =	vst v0  }
0x16: {  	[tilespmem:s28+$0x6790] =	vst v0  }
.Ltmp0:
0x17: {  	[tilespmem:s28+$0x67A0] =	vst v0;
	(pc) =	sbr.rel @p0 .LBB2_2-.Ltmp0, $4  }
0x18: {  	[tilespmem:s28+$0x67B0] =	vst v0  }
0x19: {  	[tilespmem:s28+$0x67C0] =	vst v0  }
0x1a: {  	[tilespmem:s28+$0x67D0] =	vst v0  }
0x1b: {  	[tilespmem:s28+$0x67E0] =	vst v0;
	s28 =	sshra.s32 s1, $0x2;
	s1 =	sadd.s32 $0x200, s1  }
0x1c: {  	[tilespmem:s28+$0x67F0] =	vst v0  }
0x1d: {  	[tilespmem:s28+$0x6780] =	vst v0  }
0x1e: {  	[tilespmem:s28+$0x6790] =	vst v0  }
0x1f: {  	[tilespmem:s28+$0x67A0] =	vst v0  }
0x20: {  	[tilespmem:s28+$0x67B0] =	vst v0  }
0x21: {  	[tilespmem:s28+$0x67C0] =	vst v0  }
0x22: {  	[tilespmem:s28+$0x67D0] =	vst v0  }
0x23: {  	[tilespmem:s28+$0x67E0] =	vst v0  }
0x24: {  	[spmem:s8] =	stream.linear.scatter [tilespmem:s17], [sflag:$0x3], $0x2800, $0x38;
	[tilespmem:$0x1F780] =	vst v63  }
0x25: {  	_ =	swait.ge [sflag:s18], $0x2800  }
0x26: {  	[sflag:s18] =	ssyncset.done $0x0  }
0x27: {  	[sflag:s18] =	ssyncadd.s32 $0xFFFFD800  }
0x28: {  	[spmem:s10] =	stream.linear.scatter [tilespmem:s17], [sflag:$0x3], $0x2800, $0x38;
	[tilespmem:$0x1F780] =	vst v63  }
0x29: {  	_ =	swait.ge [sflag:s18], $0x2800  }
0x2a: {  	[sflag:s18] =	ssyncset.done $0x0  }
0x2b: {  	[sflag:s18] =	ssyncadd.s32 $0xFFFFD800  }
0x2c: {  	[spmem:s11] =	stream.linear.scatter [tilespmem:s17], [sflag:$0x3], $0x2800, $0x38;
	[tilespmem:$0x1F780] =	vst v63  }
0x2d: {  	_ =	swait.ge [sflag:s18], $0x2800  }
0x2e: {  	[sflag:s18] =	ssyncset.done $0x0  }
0x2f: {  	[sflag:s18] =	ssyncadd.s32 $0xFFFFD800  }
0x30: {  	[spmem:s12] =	stream.linear.scatter [tilespmem:s17], [sflag:$0x3], $0x2800, $0x38;
	[tilespmem:$0x1F780] =	vst v63  }
0x31: {  	_ =	swait.ge [sflag:s18], $0x2800  }
0x32: {  	[sflag:s18] =	ssyncset.done $0x0  }
0x33: {  	[sflag:s18] =	ssyncadd.s32 $0xFFFFD800  }
0x34: {  	[spmem:s13] =	stream.linear.scatter [tilespmem:s17], [sflag:$0x3], $0x2800, $0x38;
	[tilespmem:$0x1F780] =	vst v63  }
0x35: {  	_ =	swait.ge [sflag:s18], $0x2800  }
0x36: {  	[sflag:s18] =	ssyncset.done $0x0  }
0x37: {  	[sflag:s18] =	ssyncadd.s32 $0xFFFFD800  }
0x38: {  	[spmem:s14] =	stream.linear.scatter [tilespmem:s17], [sflag:$0x3], $0x2800, $0x38;
	[tilespmem:$0x1F780] =	vst v63  }
0x39: {  	_ =	swait.ge [sflag:s18], $0x2800  }
0x3a: {  	[sflag:s18] =	ssyncset.done $0x0  }
0x3b: {  	[sflag:s18] =	ssyncadd.s32 $0xFFFFD800  }
0x3c: {  	[spmem:s15] =	stream.linear.scatter [tilespmem:s17], [sflag:$0x3], $0x2800, $0x38;
	[tilespmem:$0x1F780] =	vst v63  }
0x3d: {  	_ =	swait.ge [sflag:s18], $0x2800  }
0x3e: {  	[sflag:s18] =	ssyncset.done $0x0  }
0x3f: {  	[sflag:s18] =	ssyncadd.s32 $0xFFFFD800  }
0x40: {  	[spmem:s16] =	stream.linear.scatter [tilespmem:s17], [sflag:$0x3], $0x2800, $0x38;
	[tilespmem:$0x1F780] =	vst v63  }
0x41: {  	_ =	swait.ge [sflag:s18], $0x2800  }
0x42: {  	[sflag:s18] =	ssyncset.done $0x0  }
0x43: {  	s0 =	simm.s32 $0x80;
	[sflag:s18] =	ssyncadd.s32 $0xFFFFD800  }
0x44: {  	[tilespmem:s3], [sflag:$0x3] =	stream.strided.gather [hbm4b:s5+s0], $0x2780, s20, s0, $0x38;
	[tilespmem:$0x1F780] =	vst v63  }
0x45: {  	_ =	swait.ge [sflag:s18], $0x2780  }
0x46: {  	[sflag:s18] =	ssyncset.done $0x0  }
0x47: {  	[sflag:s18] =	ssyncadd.s32 $0xFFFFD880  }
0x48: {  	[tilespmem:s21], [sflag:$0x3] =	stream.linear.gather [hbm4b:s6+s3], $0x3E80, $0x38;
	[tilespmem:$0x1F780] =	vst v63  }
0x49: {  	_ =	swait.ge [sflag:s18], $0x3E80  }
0x4a: {  	[sflag:s18] =	ssyncset.done $0x0  }
0x4b: {  	[sflag:s18] =	ssyncadd.s32 $0xFFFFC180  }
0x4c: {  	s19 =	simm.s32 $0x1;
	[bflag:$0x0] =	sbarrier.arrive $0xFFFF  }
0x4d: {  	[tilespmem:s17], [sflag:$0x1] =	stream.indirect.gather [hbm4b:s4+s22], $0x80, s3, s22, $0xb8;
	[tilespmem:$0x1F780] =	vst v63  }
0x4e: {  	_ =	swait.ge [sflag:s19], $0x2800  }
0x4f: {  	[sflag:s19] =	ssyncset.done $0x0  }
0x50: {  	s1 =	simm.s32 $0x8F80;
	[sflag:s19] =	ssyncadd.s32 $0xFFFFD800  }
0x51: {  	[tilespmem:s1], [sflag:$0x1] =	stream.indirect.gather [hbm4b:s4+s22], $0x80, s22, s22, $0xb8;
	[tilespmem:$0x1F780] =	vst v63  }
0x52: {  	_ = 	snop  }
0x53: {  	[spmem:s2] =	stream.indirect.scatter.add.f32 [tilespmem:s17], [sflag:$0x2], $0x80, s21, s22, $0xb8;
	[tilespmem:$0x1F780] =	vst v63  }
0x54: {  	_ =	swait.ge [sflag:s19], $0x2800  }
0x55: {  	s28 =	sxor.u32 $0x1, s19;
	[sflag:s19] =	ssyncset.done $0x0  }
0x56: {  	s28 =	smul.u32 $0xA000, s28;
	[sflag:s19] =	ssyncadd.s32 $0xFFFFD800;
	s19 =	simm.s32 $0x2  }
0x57: {  	_ =	swait.ge [sflag:s19], $0x2800  }
0x58: {  	s29 =	sshra.s32 s28, $0x2;
	[sflag:s19] =	ssyncset.done $0x0  }
0x59: {  	s28 =	simm.s32 $0xA0;
	s29 =	sadd.s32 $0x6780, s29;
	[sflag:s19] =	ssyncadd.s32 $0xFFFFD800  }
0x5a: {  	[tilespmem:s29], [sflag:$0x1] =	stream.indirect.gather [hbm4b:s4+s22], $0x80, s28, s22, $0xb8;
	[tilespmem:$0x1F780] =	vst v63  }
0x5b: {  	s29 =	simm.s32 $0x2800  }
0x5c: {  	[spmem:s2] =	stream.indirect.scatter.add.f32 [tilespmem:s1], [sflag:$0x2], $0x80, s29, s22, $0xb8;
	[tilespmem:$0x1F780] =	vst v63  }
0x5d: {  	s31 =	simm.s32 $0x4;
	s0 =	sand.u32 $0x1, s19;
	_ =	swait.ge [sflag:s23], $0x2800  }
0x5e: {  	s19 =	sxor.u32 $0x1, s0;
	s0 =	smul.u32 $0xA000, s0;
	[sflag:s23] =	ssyncset.done $0x0  }
0x5f: {  	s30 =	simm.s32 $0x2880;
	s1 =	smul.u32 $0xA000, s19;
	[sflag:s23] =	ssyncadd.s32 $0xFFFFD800  }
0x60: {  	s29 =	simm.s32 $0x3;
	s19 =	sshrl.u32 s0, $0x2;
	_ =	swait.ge [sflag:s24], $0x2800  }
0x61: {  	s0 =	sshra.s32 s1, $0x2;
	s1 =	sadd.s32 $0x6780, s19;
	[sflag:s24] =	ssyncset.done $0x0  }
.LBB2_4:
0x62: {  	s0 =	sadd.s32 $0x6780, s0;
	[sflag:s24] =	ssyncadd.s32 $0xFFFFD800;
	s28 =	sadd.s32 $0x50, s28  }
0x63: {  	[tilespmem:s0], [sflag:$0x1] =	stream.indirect.gather [hbm4b:s4+s22], $0x80, s28, s22, $0xb8;
	[tilespmem:$0x1F780] =	vst v63  }
0x64: {  	p0 =	sne.s32 s31, $0x7C;
	s0 =	smov.u32 s31;
	s31 =	sadd.s32 $0x1, s31  }
0x65: {  	[spmem:s2] =	stream.indirect.scatter.add.f32 [tilespmem:s1], [sflag:$0x2], $0x80, s30, s22, $0xb8;
	[tilespmem:$0x1F780] =	vst v63  }
.Ltmp1:
0x66: {  	s1 =	sand.u32 $0x1, s29;
	_ =	swait.ge [sflag:s23], $0x2800;
	(pc) =	sbr.rel @p0 .LBB2_4-.Ltmp1, $4  }
0x67: {  	s19 =	sxor.u32 $0x1, s1;
	s1 =	smul.u32 $0xA000, s1;
	[sflag:s23] =	ssyncset.done $0x0  }
0x68: {  	s29 =	smov.u32 s0;
	s19 =	smul.u32 $0xA000, s19;
	[sflag:s23] =	ssyncadd.s32 $0xFFFFD800  }
0x69: {  	s30 =	sadd.s32 $0x80, s30;
	s1 =	sshrl.u32 s1, $0x2;
	_ =	swait.ge [sflag:s24], $0x2800  }
0x6a: {  	s0 =	sshra.s32 s19, $0x2;
	s1 =	sadd.s32 $0x6780, s1;
	[sflag:s24] =	ssyncset.done $0x0  }
0x6b: {  	s0 =	sadd.s32 $0x6780, s0;
	[sflag:s24] =	ssyncadd.s32 $0xFFFFD800;
	s19 =	sadd.s32 $0x50, s28  }
0x6c: {  	[tilespmem:s0], [sflag:$0x1] =	stream.indirect.gather [hbm4b:s4+s22], $0x80, s19, s22, $0xb8;
	[tilespmem:$0x1F780] =	vst v63  }
0x6d: {  	_ = 	snop  }
0x6e: {  	[spmem:s2] =	stream.indirect.scatter.add.f32 [tilespmem:s1], [sflag:$0x2], $0x80, s30, s22, $0xb8;
	[tilespmem:$0x1F780] =	vst v63  }
0x6f: {  	_ =	swait.ge [sflag:s23], $0x2800  }
0x70: {  	s29 =	sand.u32 $0x1, s29;
	[sflag:s23] =	ssyncset.done $0x0  }
0x71: {  	s0 =	smul.u32 $0xA000, s29;
	[sflag:s23] =	ssyncadd.s32 $0xFFFFD800  }
0x72: {  	_ =	swait.ge [sflag:s24], $0x2800  }
0x73: {  	s0 =	sshrl.u32 s0, $0x2;
	[sflag:s24] =	ssyncset.done $0x0  }
0x74: {  	s0 =	sadd.s32 $0x6780, s0;
	[sflag:s24] =	ssyncadd.s32 $0xFFFFD800  }
0x75: {  	[spmem:s2] =	stream.indirect.scatter.add.f32 [tilespmem:s0], [sflag:$0x2], $0x80, s25, s22, $0xb8;
	[tilespmem:$0x1F780] =	vst v63  }
0x76: {  	s31 =	sshrl.u32 s8, $0x3;
	_ =	swait.ge [sflag:s24], $0x2800  }
0x77: {  	s26 =	sadd.s32 $0x1, s26;
	s30 =	stileid.u32;
	[sflag:s24] =	ssyncset.done $0x0  }
0x78: {  	p0 =	sne.s32 s26, s9;
	s0 =	sshll.u32 s30, $0x6;
	[sflag:s24] =	ssyncadd.s32 $0xFFFFD800  }
.Ltmp2:
0x79: {  	s0 =	sor.u32 $0x1C03, s0;
	[bflag:$0x0] =	sbarrier.arrive $0xFFFF;
	(pc) =	sbr.rel @p0 .LBB2_1-.Ltmp2, $4  }
0x7a: {  	[hbm:s7], [sflag:s0] =	dma.local [spmem:s31], $0x2800  }
0x7b: {  	_ =	swait.ge [sflag:s18], $0x2800  }
0x7c: {  	[sflag:s18] =	ssyncset.done $0x0  }
0x7d: {  	[sflag:s18] =	ssyncadd.s32 $0xFFFFD800  }
0x7e: {  	_ =	sfence.sel $0x180000  }
0x7f: {  	[bflag:$0x0] =	sbarrier.arrive $0xFFFF  }
0x80: {  	_ =	strace $0x9000004A  }
0x81: {  	s0 =	stileid.u32;
	[bflag:$0x2] =	sbarrier.arrive $0xFFFF  }
0x82: {  	p0 =	sne.s32 s0, $0x0;
	s0 =	rddreg [dreg:$0x2]  }
0x83: {  	s0 =	sadd.s32 @!p0 $0x100000, s0  }
0x84: {  	[sflag:s0] =	ssyncadd.tile.s32 @!p0 $0x1;
	_ =	shalt  }
.Lfunc_end2:
_tile_overlayer_lowered:
.L_overlay_start_2:
0x85: {  	(tag) =	ssettag $0x2  }
0x86: {  	s0 =	rddreg [dreg:$0x0];
	s2 =	stileid.u32  }
0x87: {  	s1 =	rddreg [dreg:$0x1];
	p0 =	sne.s32 s2, $0x0  }
0x88: {  	s3 =	rddreg [dreg:$0x2];
	[bflag:$0x3] =	sbarrier.arrive $0xFFFF;
	s2 =	simm.s32 @!p0 $0x1C03  }
0x89: {  	[timem:s3], [sflag:s2] =	dma.local @!p0 [hbm:s0], s1  }
0x8a: {  	s0 =	simm.s32 @!p0 $0x3  }
0x8b: {  	_ =	swait.ge @!p0 [sflag:s0], s1  }
0x8c: {  	s1 =	ssub.s32 @!p0 $0x0, s1;
	[sflag:s0] =	ssyncset.done @!p0 $0x0  }
0x8d: {  	[sflag:s0] =	ssyncadd.s32 @!p0 s1  }
0x8e: {  	[bflag:$0x3] =	sbarrier.arrive $0xFFFF  }
0x8f: {  	_ =	shalt  }

// kernel: kernel.14.cloned.1.call-start
scs
__scs_entry_jumppad:
0x0: {  	(pc) =	sbr.rel $0x88, $3  }
0x1: {  	(tag) =	ssettag $0x0;
	lr =	simm.s32 $0x1  }
0x2: {  	[smem:$0x3F8E] =	sst lr;
	_ =	strace $0xD0000000  }
0x3: {  	_ = 	snop  }
0x4: {  	_ = 	snop  }
0x5: {  	_ = 	snop  }
0x6: {  	_ = 	snop  }
0x7: {  	_ = 	snop  }
__scs_overlays_trampoline_lowered:
0x8: {  	[smem:$0x3F9D] =	sst s0  }
0x9: {  	[smem:$0x3F9E] =	sst s1  }
0xa: {  	[smem:$0x3F9F] =	sst s2  }
0xb: {  	[smem:$0x3FA0] =	sst s3  }
0xc: {  	[smem:$0x3FA1] =	sst s4  }
0xd: {  	[smem:$0x3FA2] =	sst s5  }
0xe: {  	[smem:$0x3FA3] =	sst s6  }
0xf: {  	[smem:$0x3FA4] =	sst s7  }
0x10: {  	[smem:$0x3FA5] =	sst s8  }
0x11: {  	[smem:$0x3FA6] =	sst s9;
	s0 =	simm.s32 @!p0 $0x0  }
0x12: {  	s1 =	sld [smem:$0x3F8C];
	s0 =	simm.s32 @p0 $0x1  }
0x13: {  	[smem:$0x3FA7] =	sst s0;
	s0 =	simm.s32 @!p1 $0x0  }
0x14: {  	s2 =	sld [smem:$0x3F8B];
	s0 =	simm.s32 @p1 $0x1  }
0x15: {  	[smem:$0x3FA8] =	sst s0;
	s0 =	simm.s32 @!p2 $0x0  }
0x16: {  	s3 =	sld [smem:$0x3FDB];
	s0 =	simm.s32 @p2 $0x1  }
0x17: {  	s4 =	simm.s32 $0x1BF5;
	[smem:$0x3FAA] =	sst s0  }
0x18: {  	s0 =	sld [smem:$0x3F8D];
	_ =	swait.ge [sflag:s4], $0x0  }
0x19: {  	s7 =	sld [smem:$0x3F8E]  }
0x1a: {  	s8 =	sadd.s32 $0xFFFFE003, lr  }
0x1b: {  	s9 =	sadd.s32 $0xFFFFFEF7, lr;
	s5 =	simm.s32 $0xFFFFFFFF;
	p2 =	slt.u32 s8, $0xFFFFF086  }
0x1c: {  	p1 =	slt.u32 s9, $0xF7A;
	s5 =	simm.s32 @!p2 $0x0  }
0x1d: {  	s5 =	simm.s32 @p1 $0x1;
	p0 =	seq.s32 s7, s2  }
0x1e: {  	s7 =	smul.u32 @!p0 $0xF7A, s2;
	p2 =	seq.s32 @!p0 s5, $0x0  }
0x1f: {  	s9 =	smul.u32 $0xF7A, s1;
	s8 =	simm.s32 @!p0 $0x1BF5;
	p2 =	por !p2, p0  }
0x20: {  	[sflag:s8] =	ssyncset.s32 @!p0 $0xFFFFF086;
	s6 =	sadd.s32 @!p0 s3, s7;
	s7 =	simm.s32 @!p0 $0x108  }
0x21: {  	s3 =	sadd.s32 s3, s9;
	s6 =	sadd.s32 @!p0 $0x88, s6;
	s7 =	simm.s32 @p2 $0x1082  }
0x22: {  	[simem:s7], [sflag:s8] =	dma.local @!p0 [hbm:s6], $0xF7A  }
0x23: {  	s9 =	sor.u32 $0xD0000000, s2;
	s6 =	simm.s32 $0x108;
	_ =	swait.ge @!p0 [sflag:s8], $0x0  }
0x24: {  	s3 =	sadd.s32 $0x88, s3;
	s6 =	simm.s32 @!p1 $0x1082;
	[sflag:s4] =	ssyncset.s32 $0xFFFFF086  }
0x25: {  	[simem:s6], [sflag:s4] =	dma.local [hbm:s3], $0xF7A  }
0x26: {  	[smem:$0x3F8E] =	sst s1;
	(tag) =	ssettag s2;
	_ =	strace s9  }
0x27: {  	s1 =	sld [smem:$0x3F9E]  }
0x28: {  	s2 =	sld [smem:$0x3F9F]  }
0x29: {  	s4 =	sld [smem:$0x3FA1]  }
0x2a: {  	p0 =	seq.s32 s5, $0x0;
	s5 =	sld [smem:$0x3FA2]  }
0x2b: {  	s6 =	sld [smem:$0x3FA3]  }
0x2c: {  	s7 =	sld [smem:$0x3FA4]  }
0x2d: {  	s3 =	simm.s32 $0x108;
	s8 =	sld [smem:$0x3FA5]  }
0x2e: {  	s3 =	simm.s32 @!p0 $0x1082;
	s9 =	sld [smem:$0x3FA6]  }
0x2f: {  	lr =	sadd.s32 s0, s3;
	s0 =	sld [smem:$0x3F9D]  }
0x30: {  	s3 =	sld [smem:$0x3FA0]  }
0x31: {  	[smem:$0x3FA9] =	sst s10  }
0x32: {  	s10 =	sld [smem:$0x3FA7];
	_ =	sdelay $0x3  }
0x33: {  	p0 =	seq.s32 s10, $0x1;
	s10 =	sld [smem:$0x3FA9];
	_ =	sdelay $0x3  }
0x34: {  	[smem:$0x3FA9] =	sst s10  }
0x35: {  	s10 =	sld [smem:$0x3FA8];
	_ =	sdelay $0x3  }
0x36: {  	p1 =	seq.s32 s10, $0x1;
	s10 =	sld [smem:$0x3FA9];
	_ =	sdelay $0x3  }
0x37: {  	[smem:$0x3FA9] =	sst s10  }
0x38: {  	s10 =	sld [smem:$0x3FAA]  }
0x39: {  	_ = 	snop;
	(pc) =	sbr.ind lr, $3  }
0x3a: {  	_ = 	snop  }
0x3b: {  	_ = 	snop  }
0x3c: {  	p2 =	seq.s32 s10, $0x1;
	s10 =	sld [smem:$0x3FA9]  }
0x3d: {  	_ =	shalt  }
0x3e: {  	_ =	shalt  }
0x3f: {  	_ =	shalt  }
0x40: {  	_ =	shalt  }
0x41: {  	_ =	shalt  }
0x42: {  	_ =	shalt  }
0x43: {  	_ =	shalt  }
0x44: {  	_ =	shalt  }
0x45: {  	_ =	shalt  }
0x46: {  	_ =	shalt  }
0x47: {  	_ =	shalt  }
0x48: {  	_ =	shalt  }
0x49: {  	_ =	shalt  }
0x4a: {  	_ =	shalt  }
0x4b: {  	_ =	shalt  }
0x4c: {  	_ =	shalt  }
0x4d: {  	_ =	shalt  }
0x4e: {  	_ =	shalt  }
0x4f: {  	_ =	shalt  }
0x50: {  	_ =	shalt  }
0x51: {  	_ =	shalt  }
0x52: {  	_ =	shalt  }
0x53: {  	_ =	shalt  }
0x54: {  	_ =	shalt  }
0x55: {  	_ =	shalt  }
0x56: {  	_ =	shalt  }
0x57: {  	_ =	shalt  }
0x58: {  	_ =	shalt  }
0x59: {  	_ =	shalt  }
0x5a: {  	_ =	shalt  }
0x5b: {  	_ =	shalt  }
0x5c: {  	_ =	shalt  }
0x5d: {  	_ =	shalt  }
0x5e: {  	_ =	shalt  }
0x5f: {  	_ =	shalt  }
0x60: {  	_ =	shalt  }
0x61: {  	_ =	shalt  }
0x62: {  	_ =	shalt  }
0x63: {  	_ =	shalt  }
0x64: {  	_ =	shalt  }
0x65: {  	_ =	shalt  }
0x66: {  	_ =	shalt  }
0x67: {  	_ =	shalt  }
0x68: {  	_ =	shalt  }
0x69: {  	_ =	shalt  }
0x6a: {  	_ =	shalt  }
0x6b: {  	_ =	shalt  }
0x6c: {  	_ =	shalt  }
0x6d: {  	_ =	shalt  }
0x6e: {  	_ =	shalt  }
0x6f: {  	_ =	shalt  }
0x70: {  	_ =	shalt  }
0x71: {  	_ =	shalt  }
0x72: {  	_ =	shalt  }
0x73: {  	_ =	shalt  }
0x74: {  	_ =	shalt  }
0x75: {  	_ =	shalt  }
0x76: {  	_ =	shalt  }
0x77: {  	_ =	shalt  }
0x78: {  	_ =	shalt  }
0x79: {  	_ =	shalt  }
0x7a: {  	_ =	shalt  }
0x7b: {  	_ =	shalt  }
0x7c: {  	_ =	shalt  }
0x7d: {  	_ =	shalt  }
0x7e: {  	_ =	shalt  }
0x7f: {  	_ =	shalt  }
0x80: {  	_ =	shalt  }
0x81: {  	_ =	shalt  }
0x82: {  	_ =	shalt  }
0x83: {  	_ =	shalt  }
0x84: {  	_ =	shalt  }
0x85: {  	_ =	shalt  }
0x86: {  	_ =	shalt  }
0x87: {  	_ =	shalt  }
.Lfunc_end0:
.L_simem_size_0:
called_computation.2_lowered:
.L_overlay_start_0:
0x88: {  	s2 =	sld [smem:$0x3FD9]  }
0x89: {  	s3 =	sld [smem:$0x3FFE];
	_ =	sdelay $0x1  }
0x8a: {  	s1 =	srdreg.scid  }
0x8b: {  	s0 =	sand.u32 $0x1, s1  }
0x8c: {  	s16 =	sshll.u32 s0, $0xA;
	s2 =	sadd.s32 s3, s2  }
0x8d: {  	s2 =	sadd.s32 s2, s16  }
0x8e: {  	[smem:$0x3FB5] =	sst s2  }
0x8f: {  	_ = 	snop  }
0x90: {  	(tm) =	ssettm $0x1  }
0x91: {  	s17 =	sld [smem:$0x3FFB];
	_ =	sdelay $0x3  }
0x92: {  	_ =	strace s17  }
0x93: {  	s2 =	sld [smem:$0x3FFC];
	_ =	sdelay $0x3  }
0x94: {  	_ =	strace s2  }
0x95: {  	s2 =	sld [smem:$0x3FFD];
	_ =	sdelay $0x3  }
0x96: {  	_ =	strace s2  }
0x97: {  	_ =	strace $0x8FFFFFFF  }
0x98: {  	s18 =	sld [smem:$0x3FDB];
	_ =	sdelay $0x1  }
0x99: {  	s19 =	simm.s32 $_scs_section_size  }
0x9a: {  	s4 =	simm.s32 $_size__tile_overlayer_lowered;
	s5 =	simm.s32 $_tile_overlayer_lowered  }
0x9b: {  	s22 =	simm.s32 $0x1BFF;
	s21 =	sshll.u32 s5, $0x1;
	s2 =	sadd.s32 s19, s18  }
0x9c: {  	s6 =	simm.s32 $0x0;
	s20 =	sshll.u32 s4, $0x1;
	s4 =	sadd.s32 s21, s2  }
0x9d: {  	[timem:s6], [sflag:s22] =	dma.local [hbm:s4], s20  }
0x9e: {  	_ =	swait.ge [sflag:s22], s20  }
0x9f: {  	s3 =	ssub.s32 $0x0, s20;
	[sflag:s22] =	ssyncset.done $0x0  }
0xa0: {  	[sflag:s22] =	ssyncadd.s32 s3;
	_ =	sdelay $0x1  }
0xa1: {  	s23 =	simm.s32 $0x1B8B  }
0xa2: {  	_ =	swait.ge [sflag:s23], $0x1  }
0xa3: {  	[sflag:s23] =	ssyncset.done $0x0  }
0xa4: {  	s25 =	simm.s32 $0x1B8E;
	s24 =	sld [smem:$0x3FFE];
	[sflag:s23] =	ssyncadd.s32 $0xFFFFFFFF  }
0xa5: {  	s26 =	simm.s32 $execute0_lowered;
	[smem:$0x3FD2] =	sst s25  }
0xa6: {  	s4 =	sshll.u32 s26, $0x1;
	_ =	strace $0x8000004C;
	[dreg:$0x1] =	wrdreg $0xFFFFFFFF  }
0xa7: {  	s28 =	simm.s32 $_size_execute0_lowered;
	s2 =	sadd.s32 s2, s4;
	[dreg:$0x0] =	wrdreg $0x0  }
0xa8: {  	s4 =	sshll.u32 s28, $0x1;
	[dreg:$0x2] =	wrdreg s2  }
0xa9: {  	[dreg:$0x3] =	wrdreg s4  }
0xaa: {  	[dreg:$0x4] =	wrdreg $0xC0  }
0xab: {  	_ =	task [dreg:s6], $0x5FFFF  }
0xac: {  	[dreg:$0x1] =	wrdreg $0xFFFFFFFF  }
0xad: {  	[dreg:$0x0] =	wrdreg $0x60  }
0xae: {  	[dreg:$0x2] =	wrdreg s24  }
0xaf: {  	[dreg:$0x3] =	wrdreg $0xB7800  }
0xb0: {  	[dreg:$0x4] =	wrdreg $0x9  }
0xb1: {  	_ =	task.clear_ibuf [dreg:s6], $0x5FFFF;
	_ =	strace $0x9000004C  }
0xb2: {  	s29 =	simm.s32 $0x9;
	_ =	strace $0x8000004E  }
0xb3: {  	_ =	swait.ge [sflag:s29], $0x1  }
0xb4: {  	[sflag:s29] =	ssyncadd.s32 $0xFFFFFFFF  }
0xb5: {  	_ =	strace $0x9000004E  }
0xb6: {  	_ =	sfence  }
0xb7: {  	s30 =	sld [smem:$0x0];
	_ =	sdelay $0x2  }
0xb8: {  	s31 =	sshll.u32 s1, $0xD;
	s1 =	sshrl.u32 s1, $0x2  }
0xb9: {  	s3 =	sand.u32 $0x4000, s31;
	s1 =	sadd.s32 s1, s30  }
0xba: {  	s0 =	sor.u32 s3, s0;
	s1 =	sshll.u32 s1, $0x11  }
0xbb: {  	s0 =	sor.u32 s1, s0  }
0xbc: {  	s0 =	sadd.s32 $0x8F2B, s0  }
0xbd: {  	[sflag:s0] =	ssyncadd.remote.s32 $0x1  }
0xbe: {  	_ =	sfence.sel $0xFFFF  }
0xbf: {  	[dreg:$0x0] =	wrdreg $0xFFFFFFFF;
	(pc) =	sbr.abs _section_cstart, $3  }
0xc0: {  	[dreg:$0x1] =	wrdreg $0xFFFFFFFF  }
0xc1: {  	_ =	task.clear_ibuf [dreg:s6], $0x2FFFF;
	_ =	strace $0x9FFFFFFF  }
0xc2: {  	(tm) =	ssettm $0x7FFFFFFF  }
0xc3: {  	_ =	shalt  }
tec
execute0_lowered:
.L_overlay_start_1:
0x0: {  	(tag) =	ssettag $0x1  }
0x1: {  	s0 =	srdreg.scid  }
0x2: {  	s9 =	stileid.u32;
	s5 =	rddreg [dreg:$0x0]  }
0x3: {  	s2 =	rddreg [dreg:$0x1];
	s17 =	simm.s32 $0x6780;
	s18 =	simm.s32 $0x3  }
0x4: {  	s20 =	simm.s32 $0x400;
	s21 =	simm.s32 $0x2780;
	s22 =	simm.s32 $0x50  }
0x5: {  	s23 =	simm.s32 $0x1;
	s24 =	simm.s32 $0x2;
	s25 =	simm.s32 $0x6580  }
0x6: {  	s26 =	simm.s32 $0x0;
	s0 =	sand.u32 $0x1, s0;
	s8 =	smul.u32 $0x14000, s9  }
0x7: {  	s6 =	sshll.u32 s9, $0x7;
	s30 =	smul.u32 $0x50000, s9;
	s1 =	sshll.u32 s0, $0x4  }
0x8: {  	s7 =	smul.u32 $0x140000, s0;
	s0 =	ssub.s32 $0x2, s0;
	s1 =	sor.u32 s9, s1  }
0x9: {  	s6 =	sand.u32 $0x380, s6;
	s31 =	sshrl.u32 s0, $0x1;
	s3 =	sshrl.u32 s1, $0x3  }
0xa: {  	s1 =	sshll.u32 s1, $0xB;
	s7 =	sadd.s32 s8, s7;
	s0 =	ssub.s32 s0, s31  }
0xb: {  	s8 =	sshrl.u32 s30, $0x2;
	s4 =	smul.u32 $0x13C00, s3;
	s3 =	simm.s32 $0x0  }
0xc: {  	s7 =	sshrl.u32 s7, $0x3;
	s1 =	sadd.s32 s1, s5;
	s8 =	sadd.s32 s8, s2  }
0xd: {  	s9 =	smax.u32 s0, $0x1;
	[smem:$0x7FF] =	sst s3;
	s7 =	sadd.s32 s7, s5  }
0xe: {  	s10 =	sadd.s32 $0x2800, s8;
	s11 =	sadd.s32 $0x5000, s8;
	s12 =	sadd.s32 $0x7800, s8  }
0xf: {  	s13 =	sadd.s32 $0xA000, s8;
	s14 =	sadd.s32 $0xC800, s8;
	s6 =	sor.u32 s6, s4  }
0x10: {  	s15 =	sadd.s32 $0xF000, s8;
	s16 =	sadd.s32 $0x11800, s8;
	s6 =	sshrl.u32 s6, $0x3  }
0x11: {  	_ =	strace $0x8000004D;
	s4 =	sadd.s32 $0x1DE00, s5;
	s6 =	sadd.s32 s6, s5  }
0x12: {  	v0 =	vimm.f32 $0.0e+00;
	s7 =	sadd.s32 $0x45000, s7;
	s5 =	sadd.s32 $0x14000, s6;
	s6 =	sadd.s32 $0x3600, s1  }
.LBB2_1:
0x13: {  	s28 =	simm.s32 $0x0;
	s1 =	simm.s32 $0x200  }
.LBB2_2:
0x14: {  	p0 =	sne.s32 s1, $0x9E00;
	[tilespmem:s28+$0x67F0] =	vst v0  }
0x15: {  	[tilespmem:s28+$0x6780] =	vst v0  }
0x16: {  	[tilespmem:s28+$0x6790] =	vst v0  }
.Ltmp0:
0x17: {  	[tilespmem:s28+$0x67A0] =	vst v0;
	(pc) =	sbr.rel @p0 .LBB2_2-.Ltmp0, $4  }
0x18: {  	[tilespmem:s28+$0x67B0] =	vst v0  }
0x19: {  	[tilespmem:s28+$0x67C0] =	vst v0  }
0x1a: {  	[tilespmem:s28+$0x67D0] =	vst v0  }
0x1b: {  	[tilespmem:s28+$0x67E0] =	vst v0;
	s28 =	sshra.s32 s1, $0x2;
	s1 =	sadd.s32 $0x200, s1  }
0x1c: {  	[tilespmem:s28+$0x67F0] =	vst v0  }
0x1d: {  	[tilespmem:s28+$0x6780] =	vst v0  }
0x1e: {  	[tilespmem:s28+$0x6790] =	vst v0  }
0x1f: {  	[tilespmem:s28+$0x67A0] =	vst v0  }
0x20: {  	[tilespmem:s28+$0x67B0] =	vst v0  }
0x21: {  	[tilespmem:s28+$0x67C0] =	vst v0  }
0x22: {  	[tilespmem:s28+$0x67D0] =	vst v0  }
0x23: {  	[tilespmem:s28+$0x67E0] =	vst v0  }
0x24: {  	[spmem:s8] =	stream.linear.scatter [tilespmem:s17], [sflag:$0x3], $0x2800, $0x38;
	[tilespmem:$0x1F780] =	vst v63  }
0x25: {  	_ =	swait.ge [sflag:s18], $0x2800  }
0x26: {  	[sflag:s18] =	ssyncset.done $0x0  }
0x27: {  	[sflag:s18] =	ssyncadd.s32 $0xFFFFD800  }
0x28: {  	[spmem:s10] =	stream.linear.scatter [tilespmem:s17], [sflag:$0x3], $0x2800, $0x38;
	[tilespmem:$0x1F780] =	vst v63  }
0x29: {  	_ =	swait.ge [sflag:s18], $0x2800  }
0x2a: {  	[sflag:s18] =	ssyncset.done $0x0  }
0x2b: {  	[sflag:s18] =	ssyncadd.s32 $0xFFFFD800  }
0x2c: {  	[spmem:s11] =	stream.linear.scatter [tilespmem:s17], [sflag:$0x3], $0x2800, $0x38;
	[tilespmem:$0x1F780] =	vst v63  }
0x2d: {  	_ =	swait.ge [sflag:s18], $0x2800  }
0x2e: {  	[sflag:s18] =	ssyncset.done $0x0  }
0x2f: {  	[sflag:s18] =	ssyncadd.s32 $0xFFFFD800  }
0x30: {  	[spmem:s12] =	stream.linear.scatter [tilespmem:s17], [sflag:$0x3], $0x2800, $0x38;
	[tilespmem:$0x1F780] =	vst v63  }
0x31: {  	_ =	swait.ge [sflag:s18], $0x2800  }
0x32: {  	[sflag:s18] =	ssyncset.done $0x0  }
0x33: {  	[sflag:s18] =	ssyncadd.s32 $0xFFFFD800  }
0x34: {  	[spmem:s13] =	stream.linear.scatter [tilespmem:s17], [sflag:$0x3], $0x2800, $0x38;
	[tilespmem:$0x1F780] =	vst v63  }
0x35: {  	_ =	swait.ge [sflag:s18], $0x2800  }
0x36: {  	[sflag:s18] =	ssyncset.done $0x0  }
0x37: {  	[sflag:s18] =	ssyncadd.s32 $0xFFFFD800  }
0x38: {  	[spmem:s14] =	stream.linear.scatter [tilespmem:s17], [sflag:$0x3], $0x2800, $0x38;
	[tilespmem:$0x1F780] =	vst v63  }
0x39: {  	_ =	swait.ge [sflag:s18], $0x2800  }
0x3a: {  	[sflag:s18] =	ssyncset.done $0x0  }
0x3b: {  	[sflag:s18] =	ssyncadd.s32 $0xFFFFD800  }
0x3c: {  	[spmem:s15] =	stream.linear.scatter [tilespmem:s17], [sflag:$0x3], $0x2800, $0x38;
	[tilespmem:$0x1F780] =	vst v63  }
0x3d: {  	_ =	swait.ge [sflag:s18], $0x2800  }
0x3e: {  	[sflag:s18] =	ssyncset.done $0x0  }
0x3f: {  	[sflag:s18] =	ssyncadd.s32 $0xFFFFD800  }
0x40: {  	[spmem:s16] =	stream.linear.scatter [tilespmem:s17], [sflag:$0x3], $0x2800, $0x38;
	[tilespmem:$0x1F780] =	vst v63  }
0x41: {  	_ =	swait.ge [sflag:s18], $0x2800  }
0x42: {  	[sflag:s18] =	ssyncset.done $0x0  }
0x43: {  	s0 =	simm.s32 $0x80;
	[sflag:s18] =	ssyncadd.s32 $0xFFFFD800  }
0x44: {  	[tilespmem:s3], [sflag:$0x3] =	stream.strided.gather [hbm4b:s5+s0], $0x2780, s20, s0, $0x38;
	[tilespmem:$0x1F780] =	vst v63  }
0x45: {  	_ =	swait.ge [sflag:s18], $0x2780  }
0x46: {  	[sflag:s18] =	ssyncset.done $0x0  }
0x47: {  	[sflag:s18] =	ssyncadd.s32 $0xFFFFD880  }
0x48: {  	[tilespmem:s21], [sflag:$0x3] =	stream.linear.gather [hbm4b:s6+s3], $0x3E80, $0x38;
	[tilespmem:$0x1F780] =	vst v63  }
0x49: {  	_ =	swait.ge [sflag:s18], $0x3E80  }
0x4a: {  	[sflag:s18] =	ssyncset.done $0x0  }
0x4b: {  	[sflag:s18] =	ssyncadd.s32 $0xFFFFC180  }
0x4c: {  	s19 =	simm.s32 $0x1;
	[bflag:$0x0] =	sbarrier.arrive $0xFFFF  }
0x4d: {  	[tilespmem:s17], [sflag:$0x1] =	stream.indirect.gather [hbm4b:s4+s22], $0x80, s3, s22, $0xb8;
	[tilespmem:$0x1F780] =	vst v63  }
0x4e: {  	_ =	swait.ge [sflag:s19], $0x2800  }
0x4f: {  	[sflag:s19] =	ssyncset.done $0x0  }
0x50: {  	s1 =	simm.s32 $0x8F80;
	[sflag:s19] =	ssyncadd.s32 $0xFFFFD800  }
0x51: {  	[tilespmem:s1], [sflag:$0x1] =	stream.indirect.gather [hbm4b:s4+s22], $0x80, s22, s22, $0xb8;
	[tilespmem:$0x1F780] =	vst v63  }
0x52: {  	_ = 	snop  }
0x53: {  	[spmem:s2] =	stream.indirect.scatter.add.f32 [tilespmem:s17], [sflag:$0x2], $0x80, s21, s22, $0xb8;
	[tilespmem:$0x1F780] =	vst v63  }
0x54: {  	_ =	swait.ge [sflag:s19], $0x2800  }
0x55: {  	s28 =	sxor.u32 $0x1, s19;
	[sflag:s19] =	ssyncset.done $0x0  }
0x56: {  	s28 =	smul.u32 $0xA000, s28;
	[sflag:s19] =	ssyncadd.s32 $0xFFFFD800;
	s19 =	simm.s32 $0x2  }
0x57: {  	_ =	swait.ge [sflag:s19], $0x2800  }
0x58: {  	s29 =	sshra.s32 s28, $0x2;
	[sflag:s19] =	ssyncset.done $0x0  }
0x59: {  	s28 =	simm.s32 $0xA0;
	s29 =	sadd.s32 $0x6780, s29;
	[sflag:s19] =	ssyncadd.s32 $0xFFFFD800  }
0x5a: {  	[tilespmem:s29], [sflag:$0x1] =	stream.indirect.gather [hbm4b:s4+s22], $0x80, s28, s22, $0xb8;
	[tilespmem:$0x1F780] =	vst v63  }
0x5b: {  	s29 =	simm.s32 $0x2800  }
0x5c: {  	[spmem:s2] =	stream.indirect.scatter.add.f32 [tilespmem:s1], [sflag:$0x2], $0x80, s29, s22, $0xb8;
	[tilespmem:$0x1F780] =	vst v63  }
0x5d: {  	s31 =	simm.s32 $0x4;
	s0 =	sand.u32 $0x1, s19;
	_ =	swait.ge [sflag:s23], $0x2800  }
0x5e: {  	s19 =	sxor.u32 $0x1, s0;
	s0 =	smul.u32 $0xA000, s0;
	[sflag:s23] =	ssyncset.done $0x0  }
0x5f: {  	s30 =	simm.s32 $0x2880;
	s1 =	smul.u32 $0xA000, s19;
	[sflag:s23] =	ssyncadd.s32 $0xFFFFD800  }
0x60: {  	s29 =	simm.s32 $0x3;
	s19 =	sshrl.u32 s0, $0x2;
	_ =	swait.ge [sflag:s24], $0x2800  }
0x61: {  	s0 =	sshra.s32 s1, $0x2;
	s1 =	sadd.s32 $0x6780, s19;
	[sflag:s24] =	ssyncset.done $0x0  }
.LBB2_4:
0x62: {  	s0 =	sadd.s32 $0x6780, s0;
	[sflag:s24] =	ssyncadd.s32 $0xFFFFD800;
	s28 =	sadd.s32 $0x50, s28  }
0x63: {  	[tilespmem:s0], [sflag:$0x1] =	stream.indirect.gather [hbm4b:s4+s22], $0x80, s28, s22, $0xb8;
	[tilespmem:$0x1F780] =	vst v63  }
0x64: {  	p0 =	sne.s32 s31, $0x7C;
	s0 =	smov.u32 s31;
	s31 =	sadd.s32 $0x1, s31  }
0x65: {  	[spmem:s2] =	stream.indirect.scatter.add.f32 [tilespmem:s1], [sflag:$0x2], $0x80, s30, s22, $0xb8;
	[tilespmem:$0x1F780] =	vst v63  }
.Ltmp1:
0x66: {  	s1 =	sand.u32 $0x1, s29;
	_ =	swait.ge [sflag:s23], $0x2800;
	(pc) =	sbr.rel @p0 .LBB2_4-.Ltmp1, $4  }
0x67: {  	s19 =	sxor.u32 $0x1, s1;
	s1 =	smul.u32 $0xA000, s1;
	[sflag:s23] =	ssyncset.done $0x0  }
0x68: {  	s29 =	smov.u32 s0;
	s19 =	smul.u32 $0xA000, s19;
	[sflag:s23] =	ssyncadd.s32 $0xFFFFD800  }
0x69: {  	s30 =	sadd.s32 $0x80, s30;
	s1 =	sshrl.u32 s1, $0x2;
	_ =	swait.ge [sflag:s24], $0x2800  }
0x6a: {  	s0 =	sshra.s32 s19, $0x2;
	s1 =	sadd.s32 $0x6780, s1;
	[sflag:s24] =	ssyncset.done $0x0  }
0x6b: {  	s0 =	sadd.s32 $0x6780, s0;
	[sflag:s24] =	ssyncadd.s32 $0xFFFFD800;
	s19 =	sadd.s32 $0x50, s28  }
0x6c: {  	[tilespmem:s0], [sflag:$0x1] =	stream.indirect.gather [hbm4b:s4+s22], $0x80, s19, s22, $0xb8;
	[tilespmem:$0x1F780] =	vst v63  }
0x6d: {  	_ = 	snop  }
0x6e: {  	[spmem:s2] =	stream.indirect.scatter.add.f32 [tilespmem:s1], [sflag:$0x2], $0x80, s30, s22, $0xb8;
	[tilespmem:$0x1F780] =	vst v63  }
0x6f: {  	_ =	swait.ge [sflag:s23], $0x2800  }
0x70: {  	s29 =	sand.u32 $0x1, s29;
	[sflag:s23] =	ssyncset.done $0x0  }
0x71: {  	s0 =	smul.u32 $0xA000, s29;
	[sflag:s23] =	ssyncadd.s32 $0xFFFFD800  }
0x72: {  	_ =	swait.ge [sflag:s24], $0x2800  }
0x73: {  	s0 =	sshrl.u32 s0, $0x2;
	[sflag:s24] =	ssyncset.done $0x0  }
0x74: {  	s0 =	sadd.s32 $0x6780, s0;
	[sflag:s24] =	ssyncadd.s32 $0xFFFFD800  }
0x75: {  	[spmem:s2] =	stream.indirect.scatter.add.f32 [tilespmem:s0], [sflag:$0x2], $0x80, s25, s22, $0xb8;
	[tilespmem:$0x1F780] =	vst v63  }
0x76: {  	s31 =	sshrl.u32 s8, $0x3;
	_ =	swait.ge [sflag:s24], $0x2800  }
0x77: {  	s26 =	sadd.s32 $0x1, s26;
	s30 =	stileid.u32;
	[sflag:s24] =	ssyncset.done $0x0  }
0x78: {  	p0 =	sne.s32 s26, s9;
	s0 =	sshll.u32 s30, $0x6;
	[sflag:s24] =	ssyncadd.s32 $0xFFFFD800  }
.Ltmp2:
0x79: {  	s0 =	sor.u32 $0x1C03, s0;
	[bflag:$0x0] =	sbarrier.arrive $0xFFFF;
	(pc) =	sbr.rel @p0 .LBB2_1-.Ltmp2, $4  }
0x7a: {  	[hbm:s7], [sflag:s0] =	dma.local [spmem:s31], $0x2800  }
0x7b: {  	_ =	swait.ge [sflag:s18], $0x2800  }
0x7c: {  	[sflag:s18] =	ssyncset.done $0x0  }
0x7d: {  	[sflag:s18] =	ssyncadd.s32 $0xFFFFD800  }
0x7e: {  	_ =	sfence.sel $0x180000  }
0x7f: {  	[bflag:$0x0] =	sbarrier.arrive $0xFFFF  }
0x80: {  	_ =	strace $0x9000004D  }
0x81: {  	s0 =	stileid.u32;
	[bflag:$0x2] =	sbarrier.arrive $0xFFFF  }
0x82: {  	p0 =	sne.s32 s0, $0x0;
	s0 =	rddreg [dreg:$0x2]  }
0x83: {  	s0 =	sadd.s32 @!p0 $0x100000, s0  }
0x84: {  	[sflag:s0] =	ssyncadd.tile.s32 @!p0 $0x1;
	_ =	shalt  }
.Lfunc_end2:
_tile_overlayer_lowered:
.L_overlay_start_2:
0x85: {  	(tag) =	ssettag $0x2  }
0x86: {  	s0 =	rddreg [dreg:$0x0];
	s2 =	stileid.u32  }
0x87: {  	s1 =	rddreg [dreg:$0x1];
	p0 =	sne.s32 s2, $0x0  }
0x88: {  	s3 =	rddreg [dreg:$0x2];
	[bflag:$0x3] =	sbarrier.arrive $0xFFFF;
	s2 =	simm.s32 @!p0 $0x1C03  }
0x89: {  	[timem:s3], [sflag:s2] =	dma.local @!p0 [hbm:s0], s1  }
0x8a: {  	s0 =	simm.s32 @!p0 $0x3  }
0x8b: {  	_ =	swait.ge @!p0 [sflag:s0], s1  }
0x8c: {  	s1 =	ssub.s32 @!p0 $0x0, s1;
	[sflag:s0] =	ssyncset.done @!p0 $0x0  }
0x8d: {  	[sflag:s0] =	ssyncadd.s32 @!p0 s1  }
0x8e: {  	[bflag:$0x3] =	sbarrier.arrive $0xFFFF  }
0x8f: {  	_ =	shalt  }

// kernel: kernel.8.cloned.1.call-start
scs
__scs_entry_jumppad:
0x0: {  	(pc) =	sbr.rel $0x88, $3  }
0x1: {  	(tag) =	ssettag $0x0;
	lr =	simm.s32 $0x1  }
0x2: {  	[smem:$0x3F8E] =	sst lr;
	_ =	strace $0xD0000000  }
0x3: {  	_ = 	snop  }
0x4: {  	_ = 	snop  }
0x5: {  	_ = 	snop  }
0x6: {  	_ = 	snop  }
0x7: {  	_ = 	snop  }
__scs_overlays_trampoline_lowered:
0x8: {  	[smem:$0x3F9D] =	sst s0  }
0x9: {  	[smem:$0x3F9E] =	sst s1  }
0xa: {  	[smem:$0x3F9F] =	sst s2  }
0xb: {  	[smem:$0x3FA0] =	sst s3  }
0xc: {  	[smem:$0x3FA1] =	sst s4  }
0xd: {  	[smem:$0x3FA2] =	sst s5  }
0xe: {  	[smem:$0x3FA3] =	sst s6  }
0xf: {  	[smem:$0x3FA4] =	sst s7  }
0x10: {  	[smem:$0x3FA5] =	sst s8  }
0x11: {  	[smem:$0x3FA6] =	sst s9;
	s0 =	simm.s32 @!p0 $0x0  }
0x12: {  	s1 =	sld [smem:$0x3F8C];
	s0 =	simm.s32 @p0 $0x1  }
0x13: {  	[smem:$0x3FA7] =	sst s0;
	s0 =	simm.s32 @!p1 $0x0  }
0x14: {  	s2 =	sld [smem:$0x3F8B];
	s0 =	simm.s32 @p1 $0x1  }
0x15: {  	[smem:$0x3FA8] =	sst s0;
	s0 =	simm.s32 @!p2 $0x0  }
0x16: {  	s3 =	sld [smem:$0x3FDB];
	s0 =	simm.s32 @p2 $0x1  }
0x17: {  	s4 =	simm.s32 $0x1BF5;
	[smem:$0x3FAA] =	sst s0  }
0x18: {  	s0 =	sld [smem:$0x3F8D];
	_ =	swait.ge [sflag:s4], $0x0  }
0x19: {  	s7 =	sld [smem:$0x3F8E]  }
0x1a: {  	s8 =	sadd.s32 $0xFFFFE003, lr  }
0x1b: {  	s9 =	sadd.s32 $0xFFFFFEF7, lr;
	s5 =	simm.s32 $0xFFFFFFFF;
	p2 =	slt.u32 s8, $0xFFFFF086  }
0x1c: {  	p1 =	slt.u32 s9, $0xF7A;
	s5 =	simm.s32 @!p2 $0x0  }
0x1d: {  	s5 =	simm.s32 @p1 $0x1;
	p0 =	seq.s32 s7, s2  }
0x1e: {  	s7 =	smul.u32 @!p0 $0xF7A, s2;
	p2 =	seq.s32 @!p0 s5, $0x0  }
0x1f: {  	s9 =	smul.u32 $0xF7A, s1;
	s8 =	simm.s32 @!p0 $0x1BF5;
	p2 =	por !p2, p0  }
0x20: {  	[sflag:s8] =	ssyncset.s32 @!p0 $0xFFFFF086;
	s6 =	sadd.s32 @!p0 s3, s7;
	s7 =	simm.s32 @!p0 $0x108  }
0x21: {  	s3 =	sadd.s32 s3, s9;
	s6 =	sadd.s32 @!p0 $0x88, s6;
	s7 =	simm.s32 @p2 $0x1082  }
0x22: {  	[simem:s7], [sflag:s8] =	dma.local @!p0 [hbm:s6], $0xF7A  }
0x23: {  	s9 =	sor.u32 $0xD0000000, s2;
	s6 =	simm.s32 $0x108;
	_ =	swait.ge @!p0 [sflag:s8], $0x0  }
0x24: {  	s3 =	sadd.s32 $0x88, s3;
	s6 =	simm.s32 @!p1 $0x1082;
	[sflag:s4] =	ssyncset.s32 $0xFFFFF086  }
0x25: {  	[simem:s6], [sflag:s4] =	dma.local [hbm:s3], $0xF7A  }
0x26: {  	[smem:$0x3F8E] =	sst s1;
	(tag) =	ssettag s2;
	_ =	strace s9  }
0x27: {  	s1 =	sld [smem:$0x3F9E]  }
0x28: {  	s2 =	sld [smem:$0x3F9F]  }
0x29: {  	s4 =	sld [smem:$0x3FA1]  }
0x2a: {  	p0 =	seq.s32 s5, $0x0;
	s5 =	sld [smem:$0x3FA2]  }
0x2b: {  	s6 =	sld [smem:$0x3FA3]  }
0x2c: {  	s7 =	sld [smem:$0x3FA4]  }
0x2d: {  	s3 =	simm.s32 $0x108;
	s8 =	sld [smem:$0x3FA5]  }
0x2e: {  	s3 =	simm.s32 @!p0 $0x1082;
	s9 =	sld [smem:$0x3FA6]  }
0x2f: {  	lr =	sadd.s32 s0, s3;
	s0 =	sld [smem:$0x3F9D]  }
0x30: {  	s3 =	sld [smem:$0x3FA0]  }
0x31: {  	[smem:$0x3FA9] =	sst s10  }
0x32: {  	s10 =	sld [smem:$0x3FA7];
	_ =	sdelay $0x3  }
0x33: {  	p0 =	seq.s32 s10, $0x1;
	s10 =	sld [smem:$0x3FA9];
	_ =	sdelay $0x3  }
0x34: {  	[smem:$0x3FA9] =	sst s10  }
0x35: {  	s10 =	sld [smem:$0x3FA8];
	_ =	sdelay $0x3  }
0x36: {  	p1 =	seq.s32 s10, $0x1;
	s10 =	sld [smem:$0x3FA9];
	_ =	sdelay $0x3  }
0x37: {  	[smem:$0x3FA9] =	sst s10  }
0x38: {  	s10 =	sld [smem:$0x3FAA]  }
0x39: {  	_ = 	snop;
	(pc) =	sbr.ind lr, $3  }
0x3a: {  	_ = 	snop  }
0x3b: {  	_ = 	snop  }
0x3c: {  	p2 =	seq.s32 s10, $0x1;
	s10 =	sld [smem:$0x3FA9]  }
0x3d: {  	_ =	shalt  }
0x3e: {  	_ =	shalt  }
0x3f: {  	_ =	shalt  }
0x40: {  	_ =	shalt  }
0x41: {  	_ =	shalt  }
0x42: {  	_ =	shalt  }
0x43: {  	_ =	shalt  }
0x44: {  	_ =	shalt  }
0x45: {  	_ =	shalt  }
0x46: {  	_ =	shalt  }
0x47: {  	_ =	shalt  }
0x48: {  	_ =	shalt  }
0x49: {  	_ =	shalt  }
0x4a: {  	_ =	shalt  }
0x4b: {  	_ =	shalt  }
0x4c: {  	_ =	shalt  }
0x4d: {  	_ =	shalt  }
0x4e: {  	_ =	shalt  }
0x4f: {  	_ =	shalt  }
0x50: {  	_ =	shalt  }
0x51: {  	_ =	shalt  }
0x52: {  	_ =	shalt  }
0x53: {  	_ =	shalt  }
0x54: {  	_ =	shalt  }
0x55: {  	_ =	shalt  }
0x56: {  	_ =	shalt  }
0x57: {  	_ =	shalt  }
0x58: {  	_ =	shalt  }
0x59: {  	_ =	shalt  }
0x5a: {  	_ =	shalt  }
0x5b: {  	_ =	shalt  }
0x5c: {  	_ =	shalt  }
0x5d: {  	_ =	shalt  }
0x5e: {  	_ =	shalt  }
0x5f: {  	_ =	shalt  }
0x60: {  	_ =	shalt  }
0x61: {  	_ =	shalt  }
0x62: {  	_ =	shalt  }
0x63: {  	_ =	shalt  }
0x64: {  	_ =	shalt  }
0x65: {  	_ =	shalt  }
0x66: {  	_ =	shalt  }
0x67: {  	_ =	shalt  }
0x68: {  	_ =	shalt  }
0x69: {  	_ =	shalt  }
0x6a: {  	_ =	shalt  }
0x6b: {  	_ =	shalt  }
0x6c: {  	_ =	shalt  }
0x6d: {  	_ =	shalt  }
0x6e: {  	_ =	shalt  }
0x6f: {  	_ =	shalt  }
0x70: {  	_ =	shalt  }
0x71: {  	_ =	shalt  }
0x72: {  	_ =	shalt  }
0x73: {  	_ =	shalt  }
0x74: {  	_ =	shalt  }
0x75: {  	_ =	shalt  }
0x76: {  	_ =	shalt  }
0x77: {  	_ =	shalt  }
0x78: {  	_ =	shalt  }
0x79: {  	_ =	shalt  }
0x7a: {  	_ =	shalt  }
0x7b: {  	_ =	shalt  }
0x7c: {  	_ =	shalt  }
0x7d: {  	_ =	shalt  }
0x7e: {  	_ =	shalt  }
0x7f: {  	_ =	shalt  }
0x80: {  	_ =	shalt  }
0x81: {  	_ =	shalt  }
0x82: {  	_ =	shalt  }
0x83: {  	_ =	shalt  }
0x84: {  	_ =	shalt  }
0x85: {  	_ =	shalt  }
0x86: {  	_ =	shalt  }
0x87: {  	_ =	shalt  }
.Lfunc_end0:
.L_simem_size_0:
called_computation_lowered:
.L_overlay_start_0:
0x88: {  	s2 =	sld [smem:$0x3FD9]  }
0x89: {  	s3 =	sld [smem:$0x3FFE];
	_ =	sdelay $0x1  }
0x8a: {  	s1 =	srdreg.scid  }
0x8b: {  	s0 =	sand.u32 $0x1, s1  }
0x8c: {  	s16 =	sshll.u32 s0, $0xA;
	s2 =	sadd.s32 s3, s2  }
0x8d: {  	s2 =	sadd.s32 s2, s16  }
0x8e: {  	[smem:$0x3FB5] =	sst s2  }
0x8f: {  	_ = 	snop  }
0x90: {  	(tm) =	ssettm $0x1  }
0x91: {  	s17 =	sld [smem:$0x3FFB];
	_ =	sdelay $0x3  }
0x92: {  	_ =	strace s17  }
0x93: {  	s2 =	sld [smem:$0x3FFC];
	_ =	sdelay $0x3  }
0x94: {  	_ =	strace s2  }
0x95: {  	s2 =	sld [smem:$0x3FFD];
	_ =	sdelay $0x3  }
0x96: {  	_ =	strace s2  }
0x97: {  	_ =	strace $0x8FFFFFFF  }
0x98: {  	s18 =	sld [smem:$0x3FDB];
	_ =	sdelay $0x1  }
0x99: {  	s19 =	simm.s32 $_scs_section_size  }
0x9a: {  	s4 =	simm.s32 $_size__tile_overlayer_lowered;
	s5 =	simm.s32 $_tile_overlayer_lowered  }
0x9b: {  	s22 =	simm.s32 $0x1BFF;
	s21 =	sshll.u32 s5, $0x1;
	s2 =	sadd.s32 s19, s18  }
0x9c: {  	s6 =	simm.s32 $0x0;
	s20 =	sshll.u32 s4, $0x1;
	s4 =	sadd.s32 s21, s2  }
0x9d: {  	[timem:s6], [sflag:s22] =	dma.local [hbm:s4], s20  }
0x9e: {  	_ =	swait.ge [sflag:s22], s20  }
0x9f: {  	s3 =	ssub.s32 $0x0, s20;
	[sflag:s22] =	ssyncset.done $0x0  }
0xa0: {  	[sflag:s22] =	ssyncadd.s32 s3;
	_ =	sdelay $0x1  }
0xa1: {  	s23 =	simm.s32 $0x1B8B  }
0xa2: {  	_ =	swait.ge [sflag:s23], $0x1  }
0xa3: {  	[sflag:s23] =	ssyncset.done $0x0  }
0xa4: {  	s25 =	simm.s32 $0x1B8E;
	s24 =	sld [smem:$0x3FFE];
	[sflag:s23] =	ssyncadd.s32 $0xFFFFFFFF  }
0xa5: {  	s26 =	simm.s32 $execute0_lowered;
	[smem:$0x3FD2] =	sst s25  }
0xa6: {  	s4 =	sshll.u32 s26, $0x1;
	_ =	strace $0x80000046;
	[dreg:$0x1] =	wrdreg $0xFFFFFFFF  }
0xa7: {  	s28 =	simm.s32 $_size_execute0_lowered;
	s2 =	sadd.s32 s2, s4;
	[dreg:$0x0] =	wrdreg $0x0  }
0xa8: {  	s4 =	sshll.u32 s28, $0x1;
	[dreg:$0x2] =	wrdreg s2  }
0xa9: {  	[dreg:$0x3] =	wrdreg s4  }
0xaa: {  	[dreg:$0x4] =	wrdreg $0xC0  }
0xab: {  	_ =	task [dreg:s6], $0x5FFFF  }
0xac: {  	[dreg:$0x1] =	wrdreg $0xFFFFFFFF  }
0xad: {  	[dreg:$0x0] =	wrdreg $0x60  }
0xae: {  	[dreg:$0x2] =	wrdreg s24  }
0xaf: {  	[dreg:$0x3] =	wrdreg $0x43000  }
0xb0: {  	[dreg:$0x4] =	wrdreg $0x9  }
0xb1: {  	_ =	task.clear_ibuf [dreg:s6], $0x5FFFF;
	_ =	strace $0x90000046  }
0xb2: {  	s29 =	simm.s32 $0x9;
	_ =	strace $0x80000048  }
0xb3: {  	_ =	swait.ge [sflag:s29], $0x1  }
0xb4: {  	[sflag:s29] =	ssyncadd.s32 $0xFFFFFFFF  }
0xb5: {  	_ =	strace $0x90000048  }
0xb6: {  	_ =	sfence  }
0xb7: {  	s30 =	sld [smem:$0x0];
	_ =	sdelay $0x2  }
0xb8: {  	s31 =	sshll.u32 s1, $0xD;
	s1 =	sshrl.u32 s1, $0x2  }
0xb9: {  	s3 =	sand.u32 $0x4000, s31;
	s1 =	sadd.s32 s1, s30  }
0xba: {  	s0 =	sor.u32 s3, s0;
	s1 =	sshll.u32 s1, $0x11  }
0xbb: {  	s0 =	sor.u32 s1, s0  }
0xbc: {  	s0 =	sadd.s32 $0x8F2B, s0  }
0xbd: {  	[sflag:s0] =	ssyncadd.remote.s32 $0x1  }
0xbe: {  	_ =	sfence.sel $0xFFFF  }
0xbf: {  	[dreg:$0x0] =	wrdreg $0xFFFFFFFF;
	(pc) =	sbr.abs _section_cstart, $3  }
0xc0: {  	[dreg:$0x1] =	wrdreg $0xFFFFFFFF  }
0xc1: {  	_ =	task.clear_ibuf [dreg:s6], $0x2FFFF;
	_ =	strace $0x9FFFFFFF  }
0xc2: {  	(tm) =	ssettm $0x7FFFFFFF  }
0xc3: {  	_ =	shalt  }
tec
execute0_lowered:
.L_overlay_start_1:
0x0: {  	(tag) =	ssettag $0x1  }
0x1: {  	s4 =	rddreg [dreg:$0x0]  }
0x2: {  	s2 =	rddreg [dreg:$0x1]  }
0x3: {  	s0 =	rddreg [dreg:$0x2];
	s1 =	stileid.u32  }
0x4: {  	s5 =	srdreg.scid;
	s3 =	simm.s32 $0x0;
	s10 =	simm.s32 $0x50  }
0x5: {  	s11 =	simm.s32 $0x4000;
	s14 =	simm.s32 $0x20;
	s15 =	simm.s32 $0x10  }
0x6: {  	s16 =	simm.s32 $0x0;
	s5 =	sand.u32 $0x1, s5;
	s6 =	smul.u32 $0x500, s1  }
0x7: {  	[smem:$0x7FF] =	sst s3;
	s8 =	sshll.u32 s1, $0xB;
	s29 =	smul.u32 $0xA00, s1  }
0x8: {  	s12 =	sshll.u32 s1, $0x6;
	s7 =	sshll.u32 s5, $0x7;
	_ =	strace $0x80000047  }
0x9: {  	s28 =	sadd.s32 s8, s4;
	s30 =	ssub.s32 $0x2, s5;
	s5 =	sshll.u32 s5, $0xF  }
0xa: {  	s12 =	sor.u32 $0x1C01, s12;
	s6 =	sor.u32 s7, s6;
	s9 =	sshrl.u32 s30, $0x1  }
0xb: {  	s8 =	sshrl.u32 s29, $0x2;
	s5 =	sadd.s32 s5, s28;
	s6 =	sshrl.u32 s6, $0x3  }
0xc: {  	s31 =	ssub.s32 s30, s9;
	s5 =	sadd.s32 $0x3600, s5;
	s9 =	simm.s32 $0x1  }
0xd: {  	s6 =	sadd.s32 s6, s4;
	s4 =	sadd.s32 s8, s2;
	s7 =	smax.u32 s31, $0x1  }
0xe: {  	v0 =	vimm.f32 $0.0e+00;
	v1 =	vimm.f32 $1.000000000e+00;
	s8 =	simm.s32 $0x4080;
	s6 =	sadd.s32 $0x13600, s6;
	s13 =	sshrl.u32 s4, $0x3  }
.LBB2_1:
0xf: {  	[tilespmem:$0x4080] =	vst v0  }
0x10: {  	[tilespmem:$0x4090] =	vst v0  }
0x11: {  	[tilespmem:$0x40A0] =	vst v0  }
0x12: {  	[tilespmem:$0x40B0] =	vst v0  }
0x13: {  	[tilespmem:$0x40C0] =	vst v0  }
0x14: {  	[tilespmem:$0x40D0] =	vst v0  }
0x15: {  	[tilespmem:$0x40E0] =	vst v0  }
0x16: {  	[tilespmem:$0x40F0] =	vst v0  }
0x17: {  	[tilespmem:$0x4100] =	vst v0  }
0x18: {  	[tilespmem:$0x4110] =	vst v0  }
0x19: {  	[tilespmem:$0x4120] =	vst v0  }
0x1a: {  	[tilespmem:$0x4130] =	vst v0  }
0x1b: {  	[tilespmem:$0x4140] =	vst v0  }
0x1c: {  	[tilespmem:$0x4150] =	vst v0  }
0x1d: {  	[tilespmem:$0x4160] =	vst v0  }
0x1e: {  	[tilespmem:$0x4170] =	vst v0  }
0x1f: {  	[tilespmem:$0x4180] =	vst v0  }
0x20: {  	[tilespmem:$0x4190] =	vst v0  }
0x21: {  	[tilespmem:$0x41A0] =	vst v0  }
0x22: {  	[tilespmem:$0x41B0] =	vst v0  }
0x23: {  	[tilespmem:$0x41C0] =	vst v0  }
0x24: {  	[tilespmem:$0x41D0] =	vst v0  }
0x25: {  	[tilespmem:$0x41E0] =	vst v0  }
0x26: {  	[tilespmem:$0x41F0] =	vst v0  }
0x27: {  	[tilespmem:$0x4200] =	vst v0  }
0x28: {  	[tilespmem:$0x4210] =	vst v0  }
0x29: {  	[tilespmem:$0x4220] =	vst v0  }
0x2a: {  	[tilespmem:$0x4230] =	vst v0  }
0x2b: {  	[tilespmem:$0x4240] =	vst v0  }
0x2c: {  	[tilespmem:$0x4250] =	vst v0  }
0x2d: {  	[tilespmem:$0x4260] =	vst v0  }
0x2e: {  	[tilespmem:$0x4270] =	vst v0  }
0x2f: {  	[tilespmem:$0x4280] =	vst v0  }
0x30: {  	[tilespmem:$0x4290] =	vst v0  }
0x31: {  	[tilespmem:$0x42A0] =	vst v0  }
0x32: {  	[tilespmem:$0x42B0] =	vst v0  }
0x33: {  	[tilespmem:$0x42C0] =	vst v0  }
0x34: {  	[tilespmem:$0x42D0] =	vst v0  }
0x35: {  	[tilespmem:$0x42E0] =	vst v0  }
0x36: {  	[tilespmem:$0x42F0] =	vst v0  }
0x37: {  	[tilespmem:$0x4000] =	vst v1  }
0x38: {  	[tilespmem:$0x4010] =	vst v1  }
0x39: {  	[tilespmem:$0x4020] =	vst v1  }
0x3a: {  	[tilespmem:$0x4030] =	vst v1  }
0x3b: {  	[tilespmem:$0x4040] =	vst v1  }
0x3c: {  	[spmem:s4] =	stream.linear.scatter [tilespmem:s8], [sflag:$0x1], $0x280, $0x38;
	[tilespmem:$0x4580] =	vst v63  }
0x3d: {  	_ =	swait.ge [sflag:s9], $0x280  }
0x3e: {  	[sflag:s9] =	ssyncset.done $0x0  }
0x3f: {  	[sflag:s9] =	ssyncadd.s32 $0xFFFFFD80  }
0x40: {  	[tilespmem:s3], [sflag:$0x1] =	stream.linear.gather [hbm4b:s5+s3], $0x3E80, $0x38;
	[tilespmem:$0x4580] =	vst v63  }
0x41: {  	_ =	swait.ge [sflag:s9], $0x3E80  }
0x42: {  	[sflag:s9] =	ssyncset.done $0x0  }
0x43: {  	[sflag:s9] =	ssyncadd.s32 $0xFFFFC180  }
0x44: {  	s17 =	simm.s32 $0x0;
	[bflag:$0x0] =	sbarrier.arrive $0xFFFF  }
0x45: {  	[spmem:s2] =	stream.indirect.scatter.add.f32 [tilespmem:s11], [sflag:$0x1], $0x1, s17, s10, $0xb8;
	[tilespmem:$0x4580] =	vst v63  }
0x46: {  	_ =	swait.ge [sflag:s9], $0x50  }
0x47: {  	s17 =	simm.s32 $0x200;
	[sflag:s9] =	ssyncset.done $0x0  }
.LBB2_2:
0x48: {  	s18 =	sshra.s32 s17, $0x2;
	[sflag:s9] =	ssyncadd.s32 $0xFFFFFFB0;
	p0 =	sne.s32 s17, $0xF800  }
0x49: {  	[spmem:s2] =	stream.indirect.scatter.add.f32 [tilespmem:s11], [sflag:$0x1], $0x1, s18, s10, $0xb8;
	[tilespmem:$0x4580] =	vst v63  }
.Ltmp0:
0x4a: {  	_ = 	snop;
	(pc) =	sbr.rel @p0 .LBB2_2-.Ltmp0, $4  }
0x4b: {  	_ = 	snop  }
0x4c: {  	s17 =	sadd.s32 $0x200, s17  }
0x4d: {  	_ =	swait.ge [sflag:s9], $0x50  }
0x4e: {  	[sflag:s9] =	ssyncset.done $0x0  }
0x4f: {  	s16 =	sadd.s32 $0x1, s16  }
0x50: {  	[sflag:s9] =	ssyncadd.s32 $0xFFFFFFB0;
	p0 =	sne.s32 s16, s7  }
.Ltmp1:
0x51: {  	[bflag:$0x0] =	sbarrier.arrive $0xFFFF;
	(pc) =	sbr.rel @p0 .LBB2_1-.Ltmp1, $4  }
0x52: {  	[hbm:s6@s14], [sflag:s12] =	dma.strided [spmem:s13@s15], $0x50, s9, $0x10   }
0x53: {  	_ =	swait.ge [sflag:s9], $0x50  }
0x54: {  	[sflag:s9] =	ssyncset.done $0x0  }
0x55: {  	[sflag:s9] =	ssyncadd.s32 $0xFFFFFFB0  }
0x56: {  	_ =	sfence.sel $0x180000  }
0x57: {  	[bflag:$0x0] =	sbarrier.arrive $0xFFFF  }
0x58: {  	p0 =	sne.s32 s1, $0x0;
	_ =	strace $0x90000047  }
0x59: {  	s0 =	sadd.s32 @!p0 $0x100000, s0;
	[bflag:$0x2] =	sbarrier.arrive $0xFFFF  }
0x5a: {  	[sflag:s0] =	ssyncadd.tile.s32 @!p0 $0x1;
	_ =	shalt  }
.Lfunc_end2:
_tile_overlayer_lowered:
.L_overlay_start_2:
0x5b: {  	(tag) =	ssettag $0x2  }
0x5c: {  	s0 =	rddreg [dreg:$0x0];
	s2 =	stileid.u32  }
0x5d: {  	s1 =	rddreg [dreg:$0x1];
	p0 =	sne.s32 s2, $0x0  }
0x5e: {  	s3 =	rddreg [dreg:$0x2];
	[bflag:$0x3] =	sbarrier.arrive $0xFFFF;
	s2 =	simm.s32 @!p0 $0x1C01  }
0x5f: {  	[timem:s3], [sflag:s2] =	dma.local @!p0 [hbm:s0], s1  }
0x60: {  	s0 =	simm.s32 @!p0 $0x1  }
0x61: {  	_ =	swait.ge @!p0 [sflag:s0], s1  }
0x62: {  	s1 =	ssub.s32 @!p0 $0x0, s1;
	[sflag:s0] =	ssyncset.done @!p0 $0x0  }
0x63: {  	[sflag:s0] =	ssyncadd.s32 @!p0 s1  }
0x64: {  	[bflag:$0x3] =	sbarrier.arrive $0xFFFF  }
0x65: {  	_ =	shalt  }

</sc_bundles>
